<compile_context>
chip_gen: v7x
topology: tpu7x:2x2x1
jax: 0.10.2.dev20260603
libtpu: 0.0.44.dev20260713+nightly
codegen_flags: <defaults>
</compile_context>

<pallas_src>
import functools

import jax
import jax.numpy as jnp
from jax import lax
from jax.experimental import pallas as pl
from jax.experimental.pallas import tpu as pltpu
from jax.experimental.pallas import tpu_sc as plsc

_B, _N, _CIN = 4, 8192, 16
_M = _N // 4
_K = 32
_MBLK = 128
_RBLK = 2048
_D = 32
_ROWS = _B * _M * _K
_NW = 32
_RPW = _ROWS // _NW
_BIG = 3.0e38
_EPS = 1e-5


def _knn_kernel(cent_ref, xyzt_ref, idx_ref, cent_out_ref, s_scr):
    b = pl.program_id(0)
    c = cent_ref[0]
    p = xyzt_ref[0]
    pn2 = jnp.sum(p * p, axis=0)
    s = pn2[None, :] - 2.0 * jnp.dot(c, p, preferred_element_type=jnp.float32)
    s_scr[...] = s
    iota = lax.broadcasted_iota(jnp.int32, (_MBLK, _N), 1)
    kiota = lax.broadcasted_iota(jnp.int32, (_MBLK, _K), 1)
    ibig = jnp.int32(2 ** 30)

    def body(j, acc):
        s_cur = s_scr[...]
        rowmin = jnp.min(s_cur, axis=1)
        t = jnp.where(s_cur == rowmin[:, None], iota, ibig)
        win = jnp.min(t, axis=1)
        s_scr[...] = jnp.where(t == win[:, None], _BIG, s_cur)
        return jnp.where(kiota == j, win[:, None], acc)

    acc = lax.fori_loop(0, _K, body, jnp.zeros((_MBLK, _K), jnp.int32))
    idx_ref[0] = acc + b * _N
    cent_out_ref[0] = c


def _knn(cent, xyzt):
    grid = (_B, _M // _MBLK)
    return pl.pallas_call(
        _knn_kernel,
        grid=grid,
        in_specs=[
            pl.BlockSpec((1, _MBLK, 3), lambda b, i: (b, i, 0)),
            pl.BlockSpec((1, 3, _N), lambda b, i: (b, 0, 0)),
        ],
        out_specs=[
            pl.BlockSpec((1, _MBLK, _K), lambda b, i: (b, i, 0)),
            pl.BlockSpec((1, _MBLK, 3), lambda b, i: (b, i, 0)),
        ],
        out_shape=[
            jax.ShapeDtypeStruct((_B, _M, _K), jnp.int32),
            jax.ShapeDtypeStruct((_B, _M, 3), jnp.float32),
        ],
        scratch_shapes=[pltpu.VMEM((_MBLK, _N), jnp.float32)],
    )(cent, xyzt)


def _gather(table, idx3d):
    mesh = plsc.VectorSubcoreMesh(core_axis_name="c", subcore_axis_name="s")

    @functools.partial(
        pl.kernel,
        mesh=mesh,
        compiler_params=pltpu.CompilerParams(use_tc_tiling_on_sc=False),
        out_type=jax.ShapeDtypeStruct((_ROWS, _D), jnp.float32),
        scratch_types=[
            pltpu.VMEM((_RPW // 128, 128), jnp.int32),
            pltpu.VMEM((1024, _D), jnp.float32),
            pltpu.SemaphoreType.DMA,
        ],
    )
    def gk(idx_hbm, table_hbm, out_hbm, idx_v, rows_v, sem):
        wid = lax.axis_index("s") * 2 + lax.axis_index("c")
        base = wid * _RPW
        pltpu.sync_copy(idx_hbm.at[wid], idx_v)

        def outer(o, carry):
            cps = []
            for j in range(8):
                cps.append(pltpu.async_copy(
                    table_hbm.at[idx_v.at[o * 8 + j]],
                    rows_v.at[pl.ds(j * 128, 128)], sem))
            for cp in cps:
                cp.wait()
            pltpu.sync_copy(rows_v, out_hbm.at[pl.ds(base + o * 1024, 1024)])
            return carry

        lax.fori_loop(0, _RPW // 1024, outer, 0)

    return gk(idx3d, table)


def _acc_stats(st_ref, pre):
    s1 = jnp.sum(pre, axis=0)
    s2 = jnp.sum(pre * pre, axis=0)
    blk = jnp.concatenate([s1[None, :], s2[None, :]], axis=0)

    @pl.when(pl.program_id(0) == 0)
    def _():
        st_ref[...] = blk

    @pl.when(pl.program_id(0) != 0)
    def _():
        st_ref[...] = st_ref[...] + blk


def _bn_in(st, gamma, beta):
    mu = st[0:1, :] * (1.0 / _ROWS)
    var = st[1:2, :] * (1.0 / _ROWS) - mu * mu
    inv = lax.rsqrt(var + _EPS) * gamma
    return mu, inv, beta


def _l0_kernel(g_ref, cent_ref, w0pt_ref, w0xt_ref, b0_ref, pre_ref, st_ref):
    c = cent_ref[...]
    corr = jnp.dot(c, w0xt_ref[...], preferred_element_type=jnp.float32)
    corr = jnp.broadcast_to(corr[:, None, :], (_RBLK // _K, _K, 32))
    corr = corr.reshape(_RBLK, 32)
    pre = (jnp.dot(g_ref[...], w0pt_ref[...],
                   preferred_element_type=jnp.float32)
           - corr + b0_ref[...])
    pre_ref[...] = pre
    _acc_stats(st_ref, pre)


def _l0(g, cent_flat, w0pt, w0xt, b0):
    nblk = _ROWS // _RBLK
    return pl.pallas_call(
        _l0_kernel,
        grid=(nblk,),
        in_specs=[
            pl.BlockSpec((_RBLK, _D), lambda i: (i, 0)),
            pl.BlockSpec((_RBLK // _K, 3), lambda i: (i, 0)),
            pl.BlockSpec((_D, 32), lambda i: (0, 0)),
            pl.BlockSpec((3, 32), lambda i: (0, 0)),
            pl.BlockSpec((1, 32), lambda i: (0, 0)),
        ],
        out_specs=[
            pl.BlockSpec((_RBLK, 32), lambda i: (i, 0)),
            pl.BlockSpec((2, 32), lambda i: (0, 0)),
        ],
        out_shape=[
            jax.ShapeDtypeStruct((_ROWS, 32), jnp.float32),
            jax.ShapeDtypeStruct((2, 32), jnp.float32),
        ],
    )(g, cent_flat, w0pt, w0xt, b0)


def _mid_kernel(pre_in_ref, st_in_ref, g_ref, be_ref, wt_ref, b_ref,
                pre_ref, st_ref):
    mu, inv, beta = _bn_in(st_in_ref[...], g_ref[...], be_ref[...])
    z = jnp.maximum((pre_in_ref[...] - mu) * inv + beta, 0.0)
    pre = jnp.dot(z, wt_ref[...], preferred_element_type=jnp.float32) + b_ref[...]
    pre_ref[...] = pre
    _acc_stats(st_ref, pre)


def _mid(pre_in, st_in, gamma, beta, wt, b, cout):
    nblk = _ROWS // _RBLK
    cin = pre_in.shape[1]
    return pl.pallas_call(
        _mid_kernel,
        grid=(nblk,),
        in_specs=[
            pl.BlockSpec((_RBLK, cin), lambda i: (i, 0)),
            pl.BlockSpec((2, cin), lambda i: (0, 0)),
            pl.BlockSpec((1, cin), lambda i: (0, 0)),
            pl.BlockSpec((1, cin), lambda i: (0, 0)),
            pl.BlockSpec((cin, cout), lambda i: (0, 0)),
            pl.BlockSpec((1, cout), lambda i: (0, 0)),
        ],
        out_specs=[
            pl.BlockSpec((_RBLK, cout), lambda i: (i, 0)),
            pl.BlockSpec((2, cout), lambda i: (0, 0)),
        ],
        out_shape=[
            jax.ShapeDtypeStruct((_ROWS, cout), jnp.float32),
            jax.ShapeDtypeStruct((2, cout), jnp.float32),
        ],
    )(pre_in, st_in, gamma, beta, wt, b)


def _fin_kernel(pre_in_ref, st_in_ref, g_ref, be_ref, out_ref):
    mu, inv, beta = _bn_in(st_in_ref[...], g_ref[...], be_ref[...])
    z = jnp.maximum((pre_in_ref[...] - mu) * inv + beta, 0.0)
    z3 = z.reshape(_RBLK // _K, _K, 64)
    out_ref[...] = jnp.max(z3, axis=1)


def _fin(pre_in, st_in, gamma, beta):
    nblk = _ROWS // _RBLK
    return pl.pallas_call(
        _fin_kernel,
        grid=(nblk,),
        in_specs=[
            pl.BlockSpec((_RBLK, 64), lambda i: (i, 0)),
            pl.BlockSpec((2, 64), lambda i: (0, 0)),
            pl.BlockSpec((1, 64), lambda i: (0, 0)),
            pl.BlockSpec((1, 64), lambda i: (0, 0)),
        ],
        out_specs=pl.BlockSpec((_RBLK // _K, 64), lambda i: (i, 0)),
        out_shape=jax.ShapeDtypeStruct((_B * _M, 64), jnp.float32),
    )(pre_in, st_in, gamma, beta)


def kernel(xyz, feat_in, W0, b0, g0, beta0, W1, b1, g1, beta1,
           W2, b2, g2, beta2):
    idx_center = jnp.linspace(0.0, _N - 1, _M).astype(jnp.int32)
    cent = jnp.take(xyz, idx_center, axis=1)
    xyzt = jnp.transpose(xyz, (0, 2, 1))

    knn_idx, centers_out = _knn(cent, xyzt)

    feat_t = jnp.transpose(feat_in, (0, 2, 1))
    table = jnp.concatenate(
        [xyz, feat_t, jnp.zeros((_B, _N, _D - 3 - _CIN), jnp.float32)],
        axis=-1).reshape(_B * _N, _D)
    idx3d = knn_idx.reshape(_NW, _RPW // 128, 128)

    g = _gather(table, idx3d)

    w0pt = jnp.concatenate(
        [W0.T, jnp.zeros((_D - 19, 32), jnp.float32)], axis=0)
    w0xt = W0[:, 0:3].T
    cent_flat = cent.reshape(_B * _M, 3)

    pre0, st0 = _l0(g, cent_flat, w0pt, w0xt, b0.reshape(1, 32))
    pre1, st1 = _mid(pre0, st0, g0.reshape(1, 32), beta0.reshape(1, 32),
                     W1.T, b1.reshape(1, 32), 32)
    pre2, st2 = _mid(pre1, st1, g1.reshape(1, 32), beta1.reshape(1, 32),
                     W2.T, b2.reshape(1, 64), 64)
    fflat = _fin(pre2, st2, g2.reshape(1, 64), beta2.reshape(1, 64))

    f = jnp.transpose(fflat.reshape(_B, _M, 64), (0, 2, 1))
    return centers_out, f

# --- scband reference (transcript-rebuilt; emitter-appended) ---
"""Pipeline reference for scband-sa-layer-pn2-5583457485362 (READ-ONLY COPY).

The authoritative reference and input builder live on the scoring server;
editing this copy changes nothing except your own understanding.
"""

import jax, jax.numpy as jnp
import numpy as np

NSAMPLE = 32
MLP = [32, 32, 64]
C_IN = 16


def setup_inputs(seed: int = 0) -> dict:
    key = jax.random.key(seed)
    ks = jax.random.split(key, 16)
    B, N, Cin = 4, 8192, C_IN
    xyz = jax.random.normal(ks[0], (B, N, 3), dtype=jnp.float32)
    feat_in = jax.random.normal(ks[1], (B, Cin, N), dtype=jnp.float32)
    params = {}
    last = Cin + 3
    i = 2
    for li, oc in enumerate(MLP):
        scale = 1.0 / np.sqrt(last)
        params[f"W{li}"] = jax.random.uniform(ks[i], (oc, last), minval=-scale, maxval=scale, dtype=jnp.float32); i += 1
        params[f"b{li}"] = jax.random.uniform(ks[i], (oc,), minval=-scale, maxval=scale, dtype=jnp.float32); i += 1
        params[f"g{li}"] = jnp.ones((oc,), jnp.float32)
        params[f"beta{li}"] = jnp.zeros((oc,), jnp.float32)
        last = oc
    out = {"xyz": xyz, "feat_in": feat_in}
    out.update(params)
    return out


def _cdist(a, b):
    a2 = jnp.sum(a * a, axis=-1)[..., :, None]
    b2 = jnp.sum(b * b, axis=-1)[..., None, :]
    d2 = a2 + b2 - 2.0 * jnp.einsum('bmd,bnd->bmn', a, b)
    return jnp.sqrt(jnp.maximum(d2, 0.0))


def _forward(xyz, feat_in, layer_params):
    B, N, _ = xyz.shape
    M = max(1, N // 4)
    # fps_uniform: equispaced indices, same for every batch element
    idx_center = jnp.linspace(0.0, N - 1, M).astype(jnp.int32)
    centers_xyz = jnp.take(xyz, idx_center, axis=1)  # (B, M, 3)
    d = _cdist(centers_xyz, xyz)                      # (B, M, N)
    k = min(NSAMPLE, N)
    _, knn_idx = jax.lax.top_k(-d, k)                 # smallest distances, (B, M, k)
    neigh_xyz = jnp.take_along_axis(xyz[:, None, :, :], knn_idx[..., None], axis=2)  # (B, M, k, 3)
    local_xyz = neigh_xyz - centers_xyz[:, :, None, :]
    feat_T = jnp.transpose(feat_in, (0, 2, 1))        # (B, N, C)
    neigh_f = jnp.take_along_axis(feat_T[:, None, :, :], knn_idx[..., None], axis=2)  # (B, M, k, C)
    cat = jnp.concatenate([local_xyz, neigh_f], axis=-1)  # (B, M, k, 3+C)
    x = jnp.transpose(cat, (0, 3, 1, 2))              # (B, 3+C, M, k)
    for (W, b, g, be) in layer_params:
        x = jnp.einsum('oc,bcmk->bomk', W, x) + b[None, :, None, None]
        mu = jnp.mean(x, axis=(0, 2, 3), keepdims=True)
        var = jnp.var(x, axis=(0, 2, 3), keepdims=True)  # biased var: torch train-mode BN
        x = (x - mu) / jnp.sqrt(var + 1e-5) * g[None, :, None, None] + be[None, :, None, None]
        x = jnp.maximum(x, 0.0)
    f = jnp.max(x, axis=-1)                           # (B, C_out, M)
    return centers_xyz, f


def reference(xyz, feat_in, W0, b0, g0, beta0, W1, b1, g1, beta1, W2, b2, g2, beta2):
    layer_params = [(W0, b0, g0, beta0), (W1, b1, g1, beta1), (W2, b2, g2, beta2)]
    return _forward(xyz, feat_in, layer_params)

if __name__ == "__main__":
    import jax
    _d = setup_inputs()
    print(jax.jit(kernel)(*tuple(_d.values())))

</pallas_src>

<mosaic_0001>
#map = affine_map<(d0, d1) -> (0, 0, 0)>
#map1 = affine_map<(d0, d1) -> (0, 0)>
module attributes {stable_mosaic.version = 14 : i64} {
  func.func @gk(%arg0: i32, %arg1: i32, %arg2: memref<32x64x128xi32, #tpu.memory_space<hbm>>, %arg3: memref<32768x32xf32, #tpu.memory_space<hbm>>, %arg4: memref<262144x32xf32, #tpu.memory_space<hbm>>, %arg5: memref<64x128xi32, #tpu.memory_space<vmem>>, %arg6: memref<1024x32xf32, #tpu.memory_space<vmem>>, %arg7: memref<!tpu.dma_semaphore, #tpu.memory_space<semaphore_mem>>) attributes {dimension_semantics = [#tpu.dimension_semantics<core_parallel>, #tpu.dimension_semantics<subcore_parallel>], iteration_bounds = array<i64: 2, 16>, scalar_prefetch = 0 : i64, scratch_operands = 3 : i64, tpu.core_type = #tpu.core_type<sc_vector_subcore>, window_params = [{transform_indices = #map}, {transform_indices = #map1}, {transform_indices = #map1}]} {
    %mul3A = arith.constant 2 : i32
    %mul3A_0 = arith.muli %arg1, %mul3A : i32
    %add3A = arith.addi %mul3A_0, %arg0 : i32
    %mul3A_1 = arith.constant 8192 : i32
    %mul3A_2 = arith.muli %add3A, %mul3A_1 : i32
    "tpu.region"() ({
      %run_scoped3A = tpu.sem_alloc : memref<!tpu.dma_semaphore, #tpu.memory_space<semaphore_mem>>
      %dma_start3A = arith.constant 0 : i32
      %dma_start3A_8 = arith.constant 0 : i32
      %dma_start3A_9 = tpu.memref_slice %arg2[%add3A, %dma_start3A, %dma_start3A_8] : memref<32x64x128xi32, #tpu.memory_space<hbm>> -> memref<1x64x128xi32, #tpu.memory_space<hbm>>
      %dma_start3A_10 = tpu.memref_squeeze %dma_start3A_9 : memref<1x64x128xi32, #tpu.memory_space<hbm>> -> memref<64x128xi32, #tpu.memory_space<hbm>>
      %dma_start3A_11 = arith.constant 0 : i32
      %dma_start3A_12 = arith.constant 0 : i32
      %dma_start3A_13 = tpu.memref_slice %arg2[%add3A, %dma_start3A_11, %dma_start3A_12] : memref<32x64x128xi32, #tpu.memory_space<hbm>> -> memref<1x64x128xi32, #tpu.memory_space<hbm>>
      %dma_start3A_14 = tpu.memref_squeeze %dma_start3A_13 : memref<1x64x128xi32, #tpu.memory_space<hbm>> -> memref<64x128xi32, #tpu.memory_space<hbm>>
      tpu.enqueue_dma source(%dma_start3A_14 : memref<64x128xi32, #tpu.memory_space<hbm>>) target(%arg5 : memref<64x128xi32, #tpu.memory_space<vmem>>) target_semaphore(%run_scoped3A : memref<!tpu.dma_semaphore, #tpu.memory_space<semaphore_mem>>)
      %dma_wait3A = arith.constant 0 : i32
      %dma_wait3A_15 = arith.constant 0 : i32
      %dma_wait3A_16 = tpu.memref_slice %arg2[%add3A, %dma_wait3A, %dma_wait3A_15] : memref<32x64x128xi32, #tpu.memory_space<hbm>> -> memref<1x64x128xi32, #tpu.memory_space<hbm>>
      %dma_wait3A_17 = tpu.memref_squeeze %dma_wait3A_16 : memref<1x64x128xi32, #tpu.memory_space<hbm>> -> memref<64x128xi32, #tpu.memory_space<hbm>>
      %dma_wait3A_18 = arith.constant 0 : i32
      %dma_wait3A_19 = arith.constant 0 : i32
      %dma_wait3A_20 = tpu.memref_slice %arg2[%add3A, %dma_wait3A_18, %dma_wait3A_19] : memref<32x64x128xi32, #tpu.memory_space<hbm>> -> memref<1x64x128xi32, #tpu.memory_space<hbm>>
      %dma_wait3A_21 = tpu.memref_squeeze %dma_wait3A_20 : memref<1x64x128xi32, #tpu.memory_space<hbm>> -> memref<64x128xi32, #tpu.memory_space<hbm>>
      tpu.wait_dma2 semaphore(%run_scoped3A : memref<!tpu.dma_semaphore, #tpu.memory_space<semaphore_mem>>) src(%dma_wait3A_21 : memref<64x128xi32, #tpu.memory_space<hbm>>) dst(%arg5 : memref<64x128xi32, #tpu.memory_space<vmem>>)
      tpu.yield
    }) : () -> ()
    %scan3A = arith.constant 0 : i32
    %scan3A_3 = arith.constant 0 : i32
    %scan3A_4 = arith.constant 8 : i32
    %scan3A_5 = arith.addi %scan3A_3, %scan3A_4 : i32
    %scan3A_6 = arith.constant 1 : i32
    scf.for %scan3A_8 = %scan3A_3 to %scan3A_5 step %scan3A_6  : i32 {
      %mul3A_9 = arith.constant 8 : i32
      %mul3A_10 = arith.muli %scan3A_8, %mul3A_9 : i32
      %add3A_11 = arith.constant 0 : i32
      %add3A_12 = arith.addi %mul3A_10, %add3A_11 : i32
      %dma_start3A = arith.constant 0 : i32
      %dma_start3A_13 = arith.constant 0 : i32
      %dma_start3A_14 = tpu.memref_slice %arg6[%dma_start3A, %dma_start3A_13] : memref<1024x32xf32, #tpu.memory_space<vmem>> -> memref<128x32xf32, #tpu.memory_space<vmem>>
      %dma_start3A_15 = arith.constant 0 : i32
      %dma_start3A_16 = tpu.memref_slice %arg5[%add3A_12, %dma_start3A_15] : memref<64x128xi32, #tpu.memory_space<vmem>> -> memref<1x128xi32, #tpu.memory_space<vmem>>
      %dma_start3A_17 = tpu.memref_squeeze %dma_start3A_16 : memref<1x128xi32, #tpu.memory_space<vmem>> -> memref<128xi32, #tpu.memory_space<vmem>>
      %dma_start3A_18 = arith.constant 0 : i32
      %dma_start3A_19 = arith.constant 0 : i32
      %dma_start3A_20 = tpu.memref_slice %arg3[%dma_start3A_18, %dma_start3A_19] : memref<32768x32xf32, #tpu.memory_space<hbm>> -> memref<32768x32xf32, #tpu.memory_space<hbm>>
      tpu.enqueue_indirect_dma source(%dma_start3A_20 : memref<32768x32xf32, #tpu.memory_space<hbm>>) target(%dma_start3A_14 : memref<128x32xf32, #tpu.memory_space<vmem>>) offsets(%dma_start3A_17 : memref<128xi32, #tpu.memory_space<vmem>>) semaphore(%arg7 : memref<!tpu.dma_semaphore, #tpu.memory_space<semaphore_mem>>)
      %mul3A_21 = arith.constant 8 : i32
      %mul3A_22 = arith.muli %scan3A_8, %mul3A_21 : i32
      %add3A_23 = arith.constant 1 : i32
      %add3A_24 = arith.addi %mul3A_22, %add3A_23 : i32
      %dma_start3A_25 = arith.constant 128 : i32
      %dma_start3A_26 = arith.constant 0 : i32
      %dma_start3A_27 = tpu.memref_slice %arg6[%dma_start3A_25, %dma_start3A_26] : memref<1024x32xf32, #tpu.memory_space<vmem>> -> memref<128x32xf32, #tpu.memory_space<vmem>>
      %dma_start3A_28 = arith.constant 0 : i32
      %dma_start3A_29 = tpu.memref_slice %arg5[%add3A_24, %dma_start3A_28] : memref<64x128xi32, #tpu.memory_space<vmem>> -> memref<1x128xi32, #tpu.memory_space<vmem>>
      %dma_start3A_30 = tpu.memref_squeeze %dma_start3A_29 : memref<1x128xi32, #tpu.memory_space<vmem>> -> memref<128xi32, #tpu.memory_space<vmem>>
      %dma_start3A_31 = arith.constant 0 : i32
      %dma_start3A_32 = arith.constant 0 : i32
      %dma_start3A_33 = tpu.memref_slice %arg3[%dma_start3A_31, %dma_start3A_32] : memref<32768x32xf32, #tpu.memory_space<hbm>> -> memref<32768x32xf32, #tpu.memory_space<hbm>>
      tpu.enqueue_indirect_dma source(%dma_start3A_33 : memref<32768x32xf32, #tpu.memory_space<hbm>>) target(%dma_start3A_27 : memref<128x32xf32, #tpu.memory_space<vmem>>) offsets(%dma_start3A_30 : memref<128xi32, #tpu.memory_space<vmem>>) semaphore(%arg7 : memref<!tpu.dma_semaphore, #tpu.memory_space<semaphore_mem>>)
      %mul3A_34 = arith.constant 8 : i32
      %mul3A_35 = arith.muli %scan3A_8, %mul3A_34 : i32
      %add3A_36 = arith.constant 2 : i32
      %add3A_37 = arith.addi %mul3A_35, %add3A_36 : i32
      %dma_start3A_38 = arith.constant 256 : i32
      %dma_start3A_39 = arith.constant 0 : i32
      %dma_start3A_40 = tpu.memref_slice %arg6[%dma_start3A_38, %dma_start3A_39] : memref<1024x32xf32, #tpu.memory_space<vmem>> -> memref<128x32xf32, #tpu.memory_space<vmem>>
      %dma_start3A_41 = arith.constant 0 : i32
      %dma_start3A_42 = tpu.memref_slice %arg5[%add3A_37, %dma_start3A_41] : memref<64x128xi32, #tpu.memory_space<vmem>> -> memref<1x128xi32, #tpu.memory_space<vmem>>
      %dma_start3A_43 = tpu.memref_squeeze %dma_start3A_42 : memref<1x128xi32, #tpu.memory_space<vmem>> -> memref<128xi32, #tpu.memory_space<vmem>>
      %dma_start3A_44 = arith.constant 0 : i32
      %dma_start3A_45 = arith.constant 0 : i32
      %dma_start3A_46 = tpu.memref_slice %arg3[%dma_start3A_44, %dma_start3A_45] : memref<32768x32xf32, #tpu.memory_space<hbm>> -> memref<32768x32xf32, #tpu.memory_space<hbm>>
      tpu.enqueue_indirect_dma source(%dma_start3A_46 : memref<32768x32xf32, #tpu.memory_space<hbm>>) target(%dma_start3A_40 : memref<128x32xf32, #tpu.memory_space<vmem>>) offsets(%dma_start3A_43 : memref<128xi32, #tpu.memory_space<vmem>>) semaphore(%arg7 : memref<!tpu.dma_semaphore, #tpu.memory_space<semaphore_mem>>)
      %mul3A_47 = arith.constant 8 : i32
      %mul3A_48 = arith.muli %scan3A_8, %mul3A_47 : i32
      %add3A_49 = arith.constant 3 : i32
      %add3A_50 = arith.addi %mul3A_48, %add3A_49 : i32
      %dma_start3A_51 = arith.constant 384 : i32
      %dma_start3A_52 = arith.constant 0 : i32
      %dma_start3A_53 = tpu.memref_slice %arg6[%dma_start3A_51, %dma_start3A_52] : memref<1024x32xf32, #tpu.memory_space<vmem>> -> memref<128x32xf32, #tpu.memory_space<vmem>>
      %dma_start3A_54 = arith.constant 0 : i32
      %dma_start3A_55 = tpu.memref_slice %arg5[%add3A_50, %dma_start3A_54] : memref<64x128xi32, #tpu.memory_space<vmem>> -> memref<1x128xi32, #tpu.memory_space<vmem>>
      %dma_start3A_56 = tpu.memref_squeeze %dma_start3A_55 : memref<1x128xi32, #tpu.memory_space<vmem>> -> memref<128xi32, #tpu.memory_space<vmem>>
      %dma_start3A_57 = arith.constant 0 : i32
      %dma_start3A_58 = arith.constant 0 : i32
      %dma_start3A_59 = tpu.memref_slice %arg3[%dma_start3A_57, %dma_start3A_58] : memref<32768x32xf32, #tpu.memory_space<hbm>> -> memref<32768x32xf32, #tpu.memory_space<hbm>>
      tpu.enqueue_indirect_dma source(%dma_start3A_59 : memref<32768x32xf32, #tpu.memory_space<hbm>>) target(%dma_start3A_53 : memref<128x32xf32, #tpu.memory_space<vmem>>) offsets(%dma_start3A_56 : memref<128xi32, #tpu.memory_space<vmem>>) semaphore(%arg7 : memref<!tpu.dma_semaphore, #tpu.memory_space<semaphore_mem>>)
      %mul3A_60 = arith.constant 8 : i32
      %mul3A_61 = arith.muli %scan3A_8, %mul3A_60 : i32
      %add3A_62 = arith.constant 4 : i32
      %add3A_63 = arith.addi %mul3A_61, %add3A_62 : i32
      %dma_start3A_64 = arith.constant 512 : i32
      %dma_start3A_65 = arith.constant 0 : i32
      %dma_start3A_66 = tpu.memref_slice %arg6[%dma_start3A_64, %dma_start3A_65] : memref<1024x32xf32, #tpu.memory_space<vmem>> -> memref<128x32xf32, #tpu.memory_space<vmem>>
      %dma_start3A_67 = arith.constant 0 : i32
      %dma_start3A_68 = tpu.memref_slice %arg5[%add3A_63, %dma_start3A_67] : memref<64x128xi32, #tpu.memory_space<vmem>> -> memref<1x128xi32, #tpu.memory_space<vmem>>
      %dma_start3A_69 = tpu.memref_squeeze %dma_start3A_68 : memref<1x128xi32, #tpu.memory_space<vmem>> -> memref<128xi32, #tpu.memory_space<vmem>>
      %dma_start3A_70 = arith.constant 0 : i32
      %dma_start3A_71 = arith.constant 0 : i32
      %dma_start3A_72 = tpu.memref_slice %arg3[%dma_start3A_70, %dma_start3A_71] : memref<32768x32xf32, #tpu.memory_space<hbm>> -> memref<32768x32xf32, #tpu.memory_space<hbm>>
      tpu.enqueue_indirect_dma source(%dma_start3A_72 : memref<32768x32xf32, #tpu.memory_space<hbm>>) target(%dma_start3A_66 : memref<128x32xf32, #tpu.memory_space<vmem>>) offsets(%dma_start3A_69 : memref<128xi32, #tpu.memory_space<vmem>>) semaphore(%arg7 : memref<!tpu.dma_semaphore, #tpu.memory_space<semaphore_mem>>)
      %mul3A_73 = arith.constant 8 : i32
      %mul3A_74 = arith.muli %scan3A_8, %mul3A_73 : i32
      %add3A_75 = arith.constant 5 : i32
      %add3A_76 = arith.addi %mul3A_74, %add3A_75 : i32
      %dma_start3A_77 = arith.constant 640 : i32
      %dma_start3A_78 = arith.constant 0 : i32
      %dma_start3A_79 = tpu.memref_slice %arg6[%dma_start3A_77, %dma_start3A_78] : memref<1024x32xf32, #tpu.memory_space<vmem>> -> memref<128x32xf32, #tpu.memory_space<vmem>>
      %dma_start3A_80 = arith.constant 0 : i32
      %dma_start3A_81 = tpu.memref_slice %arg5[%add3A_76, %dma_start3A_80] : memref<64x128xi32, #tpu.memory_space<vmem>> -> memref<1x128xi32, #tpu.memory_space<vmem>>
      %dma_start3A_82 = tpu.memref_squeeze %dma_start3A_81 : memref<1x128xi32, #tpu.memory_space<vmem>> -> memref<128xi32, #tpu.memory_space<vmem>>
      %dma_start3A_83 = arith.constant 0 : i32
      %dma_start3A_84 = arith.constant 0 : i32
      %dma_start3A_85 = tpu.memref_slice %arg3[%dma_start3A_83, %dma_start3A_84] : memref<32768x32xf32, #tpu.memory_space<hbm>> -> memref<32768x32xf32, #tpu.memory_space<hbm>>
      tpu.enqueue_indirect_dma source(%dma_start3A_85 : memref<32768x32xf32, #tpu.memory_space<hbm>>) target(%dma_start3A_79 : memref<128x32xf32, #tpu.memory_space<vmem>>) offsets(%dma_start3A_82 : memref<128xi32, #tpu.memory_space<vmem>>) semaphore(%arg7 : memref<!tpu.dma_semaphore, #tpu.memory_space<semaphore_mem>>)
      %mul3A_86 = arith.constant 8 : i32
      %mul3A_87 = arith.muli %scan3A_8, %mul3A_86 : i32
      %add3A_88 = arith.constant 6 : i32
      %add3A_89 = arith.addi %mul3A_87, %add3A_88 : i32
      %dma_start3A_90 = arith.constant 768 : i32
      %dma_start3A_91 = arith.constant 0 : i32
      %dma_start3A_92 = tpu.memref_slice %arg6[%dma_start3A_90, %dma_start3A_91] : memref<1024x32xf32, #tpu.memory_space<vmem>> -> memref<128x32xf32, #tpu.memory_space<vmem>>
      %dma_start3A_93 = arith.constant 0 : i32
      %dma_start3A_94 = tpu.memref_slice %arg5[%add3A_89, %dma_start3A_93] : memref<64x128xi32, #tpu.memory_space<vmem>> -> memref<1x128xi32, #tpu.memory_space<vmem>>
      %dma_start3A_95 = tpu.memref_squeeze %dma_start3A_94 : memref<1x128xi32, #tpu.memory_space<vmem>> -> memref<128xi32, #tpu.memory_space<vmem>>
      %dma_start3A_96 = arith.constant 0 : i32
      %dma_start3A_97 = arith.constant 0 : i32
      %dma_start3A_98 = tpu.memref_slice %arg3[%dma_start3A_96, %dma_start3A_97] : memref<32768x32xf32, #tpu.memory_space<hbm>> -> memref<32768x32xf32, #tpu.memory_space<hbm>>
      tpu.enqueue_indirect_dma source(%dma_start3A_98 : memref<32768x32xf32, #tpu.memory_space<hbm>>) target(%dma_start3A_92 : memref<128x32xf32, #tpu.memory_space<vmem>>) offsets(%dma_start3A_95 : memref<128xi32, #tpu.memory_space<vmem>>) semaphore(%arg7 : memref<!tpu.dma_semaphore, #tpu.memory_space<semaphore_mem>>)
      %mul3A_99 = arith.constant 8 : i32
      %mul3A_100 = arith.muli %scan3A_8, %mul3A_99 : i32
      %add3A_101 = arith.constant 7 : i32
      %add3A_102 = arith.addi %mul3A_100, %add3A_101 : i32
      %dma_start3A_103 = arith.constant 896 : i32
      %dma_start3A_104 = arith.constant 0 : i32
      %dma_start3A_105 = tpu.memref_slice %arg6[%dma_start3A_103, %dma_start3A_104] : memref<1024x32xf32, #tpu.memory_space<vmem>> -> memref<128x32xf32, #tpu.memory_space<vmem>>
      %dma_start3A_106 = arith.constant 0 : i32
      %dma_start3A_107 = tpu.memref_slice %arg5[%add3A_102, %dma_start3A_106] : memref<64x128xi32, #tpu.memory_space<vmem>> -> memref<1x128xi32, #tpu.memory_space<vmem>>
      %dma_start3A_108 = tpu.memref_squeeze %dma_start3A_107 : memref<1x128xi32, #tpu.memory_space<vmem>> -> memref<128xi32, #tpu.memory_space<vmem>>
      %dma_start3A_109 = arith.constant 0 : i32
      %dma_start3A_110 = arith.constant 0 : i32
      %dma_start3A_111 = tpu.memref_slice %arg3[%dma_start3A_109, %dma_start3A_110] : memref<32768x32xf32, #tpu.memory_space<hbm>> -> memref<32768x32xf32, #tpu.memory_space<hbm>>
      tpu.enqueue_indirect_dma source(%dma_start3A_111 : memref<32768x32xf32, #tpu.memory_space<hbm>>) target(%dma_start3A_105 : memref<128x32xf32, #tpu.memory_space<vmem>>) offsets(%dma_start3A_108 : memref<128xi32, #tpu.memory_space<vmem>>) semaphore(%arg7 : memref<!tpu.dma_semaphore, #tpu.memory_space<semaphore_mem>>)
      %dma_wait3A = arith.constant 0 : i32
      %dma_wait3A_112 = arith.constant 0 : i32
      %dma_wait3A_113 = tpu.memref_slice %arg6[%dma_wait3A, %dma_wait3A_112] : memref<1024x32xf32, #tpu.memory_space<vmem>> -> memref<128x32xf32, #tpu.memory_space<vmem>>
      %dma_wait3A_114 = arith.constant 0 : i32
      %dma_wait3A_115 = tpu.memref_slice %arg5[%add3A_12, %dma_wait3A_114] : memref<64x128xi32, #tpu.memory_space<vmem>> -> memref<1x128xi32, #tpu.memory_space<vmem>>
      %dma_wait3A_116 = tpu.memref_squeeze %dma_wait3A_115 : memref<1x128xi32, #tpu.memory_space<vmem>> -> memref<128xi32, #tpu.memory_space<vmem>>
      %dma_wait3A_117 = arith.constant 0 : i32
      %dma_wait3A_118 = arith.constant 0 : i32
      %dma_wait3A_119 = tpu.memref_slice %arg3[%dma_wait3A_117, %dma_wait3A_118] : memref<32768x32xf32, #tpu.memory_space<hbm>> -> memref<32768x32xf32, #tpu.memory_space<hbm>>
      tpu.wait_indirect_dma semaphore(%arg7 : memref<!tpu.dma_semaphore, #tpu.memory_space<semaphore_mem>>) src(%dma_wait3A_119 : memref<32768x32xf32, #tpu.memory_space<hbm>>) dst(%dma_wait3A_113 : memref<128x32xf32, #tpu.memory_space<vmem>>)
      %dma_wait3A_120 = arith.constant 128 : i32
      %dma_wait3A_121 = arith.constant 0 : i32
      %dma_wait3A_122 = tpu.memref_slice %arg6[%dma_wait3A_120, %dma_wait3A_121] : memref<1024x32xf32, #tpu.memory_space<vmem>> -> memref<128x32xf32, #tpu.memory_space<vmem>>
      %dma_wait3A_123 = arith.constant 0 : i32
      %dma_wait3A_124 = tpu.memref_slice %arg5[%add3A_24, %dma_wait3A_123] : memref<64x128xi32, #tpu.memory_space<vmem>> -> memref<1x128xi32, #tpu.memory_space<vmem>>
      %dma_wait3A_125 = tpu.memref_squeeze %dma_wait3A_124 : memref<1x128xi32, #tpu.memory_space<vmem>> -> memref<128xi32, #tpu.memory_space<vmem>>
      %dma_wait3A_126 = arith.constant 0 : i32
      %dma_wait3A_127 = arith.constant 0 : i32
      %dma_wait3A_128 = tpu.memref_slice %arg3[%dma_wait3A_126, %dma_wait3A_127] : memref<32768x32xf32, #tpu.memory_space<hbm>> -> memref<32768x32xf32, #tpu.memory_space<hbm>>
      tpu.wait_indirect_dma semaphore(%arg7 : memref<!tpu.dma_semaphore, #tpu.memory_space<semaphore_mem>>) src(%dma_wait3A_128 : memref<32768x32xf32, #tpu.memory_space<hbm>>) dst(%dma_wait3A_122 : memref<128x32xf32, #tpu.memory_space<vmem>>)
      %dma_wait3A_129 = arith.constant 256 : i32
      %dma_wait3A_130 = arith.constant 0 : i32
      %dma_wait3A_131 = tpu.memref_slice %arg6[%dma_wait3A_129, %dma_wait3A_130] : memref<1024x32xf32, #tpu.memory_space<vmem>> -> memref<128x32xf32, #tpu.memory_space<vmem>>
      %dma_wait3A_132 = arith.constant 0 : i32
      %dma_wait3A_133 = tpu.memref_slice %arg5[%add3A_37, %dma_wait3A_132] : memref<64x128xi32, #tpu.memory_space<vmem>> -> memref<1x128xi32, #tpu.memory_space<vmem>>
      %dma_wait3A_134 = tpu.memref_squeeze %dma_wait3A_133 : memref<1x128xi32, #tpu.memory_space<vmem>> -> memref<128xi32, #tpu.memory_space<vmem>>
      %dma_wait3A_135 = arith.constant 0 : i32
      %dma_wait3A_136 = arith.constant 0 : i32
      %dma_wait3A_137 = tpu.memref_slice %arg3[%dma_wait3A_135, %dma_wait3A_136] : memref<32768x32xf32, #tpu.memory_space<hbm>> -> memref<32768x32xf32, #tpu.memory_space<hbm>>
      tpu.wait_indirect_dma semaphore(%arg7 : memref<!tpu.dma_semaphore, #tpu.memory_space<semaphore_mem>>) src(%dma_wait3A_137 : memref<32768x32xf32, #tpu.memory_space<hbm>>) dst(%dma_wait3A_131 : memref<128x32xf32, #tpu.memory_space<vmem>>)
      %dma_wait3A_138 = arith.constant 384 : i32
      %dma_wait3A_139 = arith.constant 0 : i32
      %dma_wait3A_140 = tpu.memref_slice %arg6[%dma_wait3A_138, %dma_wait3A_139] : memref<1024x32xf32, #tpu.memory_space<vmem>> -> memref<128x32xf32, #tpu.memory_space<vmem>>
      %dma_wait3A_141 = arith.constant 0 : i32
      %dma_wait3A_142 = tpu.memref_slice %arg5[%add3A_50, %dma_wait3A_141] : memref<64x128xi32, #tpu.memory_space<vmem>> -> memref<1x128xi32, #tpu.memory_space<vmem>>
      %dma_wait3A_143 = tpu.memref_squeeze %dma_wait3A_142 : memref<1x128xi32, #tpu.memory_space<vmem>> -> memref<128xi32, #tpu.memory_space<vmem>>
      %dma_wait3A_144 = arith.constant 0 : i32
      %dma_wait3A_145 = arith.constant 0 : i32
      %dma_wait3A_146 = tpu.memref_slice %arg3[%dma_wait3A_144, %dma_wait3A_145] : memref<32768x32xf32, #tpu.memory_space<hbm>> -> memref<32768x32xf32, #tpu.memory_space<hbm>>
      tpu.wait_indirect_dma semaphore(%arg7 : memref<!tpu.dma_semaphore, #tpu.memory_space<semaphore_mem>>) src(%dma_wait3A_146 : memref<32768x32xf32, #tpu.memory_space<hbm>>) dst(%dma_wait3A_140 : memref<128x32xf32, #tpu.memory_space<vmem>>)
      %dma_wait3A_147 = arith.constant 512 : i32
      %dma_wait3A_148 = arith.constant 0 : i32
      %dma_wait3A_149 = tpu.memref_slice %arg6[%dma_wait3A_147, %dma_wait3A_148] : memref<1024x32xf32, #tpu.memory_space<vmem>> -> memref<128x32xf32, #tpu.memory_space<vmem>>
      %dma_wait3A_150 = arith.constant 0 : i32
      %dma_wait3A_151 = tpu.memref_slice %arg5[%add3A_63, %dma_wait3A_150] : memref<64x128xi32, #tpu.memory_space<vmem>> -> memref<1x128xi32, #tpu.memory_space<vmem>>
      %dma_wait3A_152 = tpu.memref_squeeze %dma_wait3A_151 : memref<1x128xi32, #tpu.memory_space<vmem>> -> memref<128xi32, #tpu.memory_space<vmem>>
      %dma_wait3A_153 = arith.constant 0 : i32
      %dma_wait3A_154 = arith.constant 0 : i32
      %dma_wait3A_155 = tpu.memref_slice %arg3[%dma_wait3A_153, %dma_wait3A_154] : memref<32768x32xf32, #tpu.memory_space<hbm>> -> memref<32768x32xf32, #tpu.memory_space<hbm>>
      tpu.wait_indirect_dma semaphore(%arg7 : memref<!tpu.dma_semaphore, #tpu.memory_space<semaphore_mem>>) src(%dma_wait3A_155 : memref<32768x32xf32, #tpu.memory_space<hbm>>) dst(%dma_wait3A_149 : memref<128x32xf32, #tpu.memory_space<vmem>>)
      %dma_wait3A_156 = arith.constant 640 : i32
      %dma_wait3A_157 = arith.constant 0 : i32
      %dma_wait3A_158 = tpu.memref_slice %arg6[%dma_wait3A_156, %dma_wait3A_157] : memref<1024x32xf32, #tpu.memory_space<vmem>> -> memref<128x32xf32, #tpu.memory_space<vmem>>
      %dma_wait3A_159 = arith.constant 0 : i32
      %dma_wait3A_160 = tpu.memref_slice %arg5[%add3A_76, %dma_wait3A_159] : memref<64x128xi32, #tpu.memory_space<vmem>> -> memref<1x128xi32, #tpu.memory_space<vmem>>
      %dma_wait3A_161 = tpu.memref_squeeze %dma_wait3A_160 : memref<1x128xi32, #tpu.memory_space<vmem>> -> memref<128xi32, #tpu.memory_space<vmem>>
      %dma_wait3A_162 = arith.constant 0 : i32
      %dma_wait3A_163 = arith.constant 0 : i32
      %dma_wait3A_164 = tpu.memref_slice %arg3[%dma_wait3A_162, %dma_wait3A_163] : memref<32768x32xf32, #tpu.memory_space<hbm>> -> memref<32768x32xf32, #tpu.memory_space<hbm>>
      tpu.wait_indirect_dma semaphore(%arg7 : memref<!tpu.dma_semaphore, #tpu.memory_space<semaphore_mem>>) src(%dma_wait3A_164 : memref<32768x32xf32, #tpu.memory_space<hbm>>) dst(%dma_wait3A_158 : memref<128x32xf32, #tpu.memory_space<vmem>>)
      %dma_wait3A_165 = arith.constant 768 : i32
      %dma_wait3A_166 = arith.constant 0 : i32
      %dma_wait3A_167 = tpu.memref_slice %arg6[%dma_wait3A_165, %dma_wait3A_166] : memref<1024x32xf32, #tpu.memory_space<vmem>> -> memref<128x32xf32, #tpu.memory_space<vmem>>
      %dma_wait3A_168 = arith.constant 0 : i32
      %dma_wait3A_169 = tpu.memref_slice %arg5[%add3A_89, %dma_wait3A_168] : memref<64x128xi32, #tpu.memory_space<vmem>> -> memref<1x128xi32, #tpu.memory_space<vmem>>
      %dma_wait3A_170 = tpu.memref_squeeze %dma_wait3A_169 : memref<1x128xi32, #tpu.memory_space<vmem>> -> memref<128xi32, #tpu.memory_space<vmem>>
      %dma_wait3A_171 = arith.constant 0 : i32
      %dma_wait3A_172 = arith.constant 0 : i32
      %dma_wait3A_173 = tpu.memref_slice %arg3[%dma_wait3A_171, %dma_wait3A_172] : memref<32768x32xf32, #tpu.memory_space<hbm>> -> memref<32768x32xf32, #tpu.memory_space<hbm>>
      tpu.wait_indirect_dma semaphore(%arg7 : memref<!tpu.dma_semaphore, #tpu.memory_space<semaphore_mem>>) src(%dma_wait3A_173 : memref<32768x32xf32, #tpu.memory_space<hbm>>) dst(%dma_wait3A_167 : memref<128x32xf32, #tpu.memory_space<vmem>>)
      %dma_wait3A_174 = arith.constant 896 : i32
      %dma_wait3A_175 = arith.constant 0 : i32
      %dma_wait3A_176 = tpu.memref_slice %arg6[%dma_wait3A_174, %dma_wait3A_175] : memref<1024x32xf32, #tpu.memory_space<vmem>> -> memref<128x32xf32, #tpu.memory_space<vmem>>
      %dma_wait3A_177 = arith.constant 0 : i32
      %dma_wait3A_178 = tpu.memref_slice %arg5[%add3A_102, %dma_wait3A_177] : memref<64x128xi32, #tpu.memory_space<vmem>> -> memref<1x128xi32, #tpu.memory_space<vmem>>
      %dma_wait3A_179 = tpu.memref_squeeze %dma_wait3A_178 : memref<1x128xi32, #tpu.memory_space<vmem>> -> memref<128xi32, #tpu.memory_space<vmem>>
      %dma_wait3A_180 = arith.constant 0 : i32
      %dma_wait3A_181 = arith.constant 0 : i32
      %dma_wait3A_182 = tpu.memref_slice %arg3[%dma_wait3A_180, %dma_wait3A_181] : memref<32768x32xf32, #tpu.memory_space<hbm>> -> memref<32768x32xf32, #tpu.memory_space<hbm>>
      tpu.wait_indirect_dma semaphore(%arg7 : memref<!tpu.dma_semaphore, #tpu.memory_space<semaphore_mem>>) src(%dma_wait3A_182 : memref<32768x32xf32, #tpu.memory_space<hbm>>) dst(%dma_wait3A_176 : memref<128x32xf32, #tpu.memory_space<vmem>>)
      %mul3A_183 = arith.constant 1024 : i32
      %mul3A_184 = arith.muli %scan3A_8, %mul3A_183 : i32
      %add3A_185 = arith.addi %mul3A_2, %mul3A_184 : i32
      "tpu.region"() ({
        %run_scoped3A = tpu.sem_alloc : memref<!tpu.dma_semaphore, #tpu.memory_space<semaphore_mem>>
        %dma_start3A_186 = arith.constant 0 : i32
        %dma_start3A_187 = tpu.memref_slice %arg4[%add3A_185, %dma_start3A_186] : memref<262144x32xf32, #tpu.memory_space<hbm>> -> memref<1024x32xf32, #tpu.memory_space<hbm>>
        %dma_start3A_188 = arith.constant 0 : i32
        %dma_start3A_189 = tpu.memref_slice %arg4[%add3A_185, %dma_start3A_188] : memref<262144x32xf32, #tpu.memory_space<hbm>> -> memref<1024x32xf32, #tpu.memory_space<hbm>>
        tpu.enqueue_dma source(%arg6 : memref<1024x32xf32, #tpu.memory_space<vmem>>) target(%dma_start3A_189 : memref<1024x32xf32, #tpu.memory_space<hbm>>) target_semaphore(%run_scoped3A : memref<!tpu.dma_semaphore, #tpu.memory_space<semaphore_mem>>)
        %dma_wait3A_190 = arith.constant 0 : i32
        %dma_wait3A_191 = tpu.memref_slice %arg4[%add3A_185, %dma_wait3A_190] : memref<262144x32xf32, #tpu.memory_space<hbm>> -> memref<1024x32xf32, #tpu.memory_space<hbm>>
        %dma_wait3A_192 = arith.constant 0 : i32
        %dma_wait3A_193 = tpu.memref_slice %arg4[%add3A_185, %dma_wait3A_192] : memref<262144x32xf32, #tpu.memory_space<hbm>> -> memref<1024x32xf32, #tpu.memory_space<hbm>>
        tpu.wait_dma2 semaphore(%run_scoped3A : memref<!tpu.dma_semaphore, #tpu.memory_space<semaphore_mem>>) src(%arg6 : memref<1024x32xf32, #tpu.memory_space<vmem>>) dst(%dma_wait3A_193 : memref<1024x32xf32, #tpu.memory_space<hbm>>)
        tpu.yield
      }) : () -> ()
    }
    %scan3A_7 = arith.constant 8 : i32
    return
  }
}

module attributes {stable_mosaic.version = 14 : i64} {
  func.func @_knn_kernel(%arg0: i32, %arg1: i32, %arg2: memref<1x128x3xf32, #tpu.memory_space<vmem>>, %arg3: memref<1x3x8192xf32, #tpu.memory_space<vmem>>, %arg4: memref<1x128x32xi32, #tpu.memory_space<vmem>>, %arg5: memref<1x128x3xf32, #tpu.memory_space<vmem>>, %arg6: memref<128x8192xf32, #tpu.memory_space<vmem>>) attributes {dimension_semantics = [#tpu.dimension_semantics<arbitrary>, #tpu.dimension_semantics<arbitrary>], iteration_bounds = array<i64: 4, 16>, scalar_prefetch = 0 : i64, scratch_operands = 1 : i64, tpu.core_type = #tpu.core_type<tc>, window_params = [{transform_indices = @transform_0, window_bounds = array<i64: 1, 128, 3>}, {transform_indices = @transform_1, window_bounds = array<i64: 1, 3, 8192>}, {transform_indices = @transform_2, window_bounds = array<i64: 1, 128, 32>}, {transform_indices = @transform_3, window_bounds = array<i64: 1, 128, 3>}]} {
    %get3A = arith.constant 0 : index
    %get3A_0 = arith.constant 0 : index
    %get3A_1 = arith.constant 0 : index
    %get3A_2 = vector.load %arg2[%get3A, %get3A_0, %get3A_1] : memref<1x128x3xf32, #tpu.memory_space<vmem>>, vector<1x128x3xf32>
    %get3A_3 = vector.shape_cast %get3A_2 : vector<1x128x3xf32> to vector<128x3xf32>
    %get3A_4 = arith.constant 0 : index
    %get3A_5 = arith.constant 0 : index
    %get3A_6 = arith.constant 0 : index
    %get3A_7 = vector.load %arg3[%get3A_4, %get3A_5, %get3A_6] : memref<1x3x8192xf32, #tpu.memory_space<vmem>>, vector<1x3x8192xf32>
    %get3A_8 = vector.shape_cast %get3A_7 : vector<1x3x8192xf32> to vector<3x8192xf32>
    %mul3A = arith.mulf %get3A_8, %get3A_8 : vector<3x8192xf32>
    %reduce_sum3A = arith.constant dense<0.000000e+00> : vector<8192xf32>
    %reduce_sum3A_9 = vector.multi_reduction <add>, %mul3A, %reduce_sum3A [0] : vector<3x8192xf32> to vector<8192xf32>
    %broadcast_in_dim3A = vector.shape_cast %reduce_sum3A_9 : vector<8192xf32> to vector<1x8192xf32>
    %dot_general3A = arith.constant dense<0.000000e+00> : vector<128x8192xf32>
    %dot_general3A_10 = tpu.matmul %get3A_3, %get3A_8, %dot_general3A {dimension_numbers = #tpu.dot_dimension_numbers<[1], [0], [0], [1], [0, 0, 1, 1], [], []>, transpose_lhs_hint = false} : vector<128x3xf32>, vector<3x8192xf32>, vector<128x8192xf32> -> vector<128x8192xf32>
    %mul3A_11 = arith.constant 2.000000e+00 : f32
    %mul3A_12 = vector.broadcast %mul3A_11 : f32 to vector<128x8192xf32>
    %mul3A_13 = arith.mulf %mul3A_12, %dot_general3A_10 : vector<128x8192xf32>
    %sub3A = vector.broadcast %broadcast_in_dim3A : vector<1x8192xf32> to vector<128x8192xf32>
    %sub3A_14 = arith.subf %sub3A, %mul3A_13 : vector<128x8192xf32>
    %swap3A = arith.constant 0 : index
    %swap3A_15 = arith.constant 0 : index
    %swap3A_16 = vector.load %arg6[%swap3A, %swap3A_15] : memref<128x8192xf32, #tpu.memory_space<vmem>>, vector<128x8192xf32>
    tpu.vector_store %arg6[%swap3A, %swap3A_15], %sub3A_14 {strides = array<i32>} : memref<128x8192xf32, #tpu.memory_space<vmem>>, vector<128x8192xf32>,
    %iota3A = tpu.iota {dimensions = array<i32: 1>} : vector<128x8192xi32>
    %iota3A_17 = tpu.iota {dimensions = array<i32: 1>} : vector<128x32xi32>
    %broadcast_in_dim3A_18 = arith.constant 0 : i32
    %broadcast_in_dim3A_19 = vector.broadcast %broadcast_in_dim3A_18 : i32 to vector<128x32xi32>
    %scan3A = arith.constant 1073741824 : i32
    %scan3A_20 = arith.constant 0 : i32
    %scan3A_21 = arith.constant 32 : i32
    %scan3A_22 = arith.addi %scan3A_20, %scan3A_21 : i32
    %scan3A_23 = arith.constant 1 : i32
    %scan3A_24 = scf.for %scan3A_41 = %scan3A_20 to %scan3A_22 step %scan3A_23 iter_args(%scan3A_42 = %broadcast_in_dim3A_19) -> (vector<128x32xi32>)  : i32 {
      %get3A_43 = arith.constant 0 : index
      %get3A_44 = arith.constant 0 : index
      %get3A_45 = vector.load %arg6[%get3A_43, %get3A_44] : memref<128x8192xf32, #tpu.memory_space<vmem>>, vector<128x8192xf32>
      %reduce_min3A = arith.constant dense<0x7F800000> : vector<128xf32>
      %reduce_min3A_46 = vector.multi_reduction <minimumf>, %get3A_45, %reduce_min3A [1] : vector<128x8192xf32> to vector<128xf32>
      %broadcast_in_dim3A_47 = vector.shape_cast %reduce_min3A_46 : vector<128xf32> to vector<128x1xf32>
      %eq3A = vector.broadcast %broadcast_in_dim3A_47 : vector<128x1xf32> to vector<128x8192xf32>
      %eq3A_48 = arith.cmpf oeq, %get3A_45, %eq3A : vector<128x8192xf32>
      %broadcast_in_dim3A_49 = vector.broadcast %scan3A : i32 to vector<128x8192xi32>
      %select_n3A = arith.select %eq3A_48, %iota3A, %broadcast_in_dim3A_49 : vector<128x8192xi1>, vector<128x8192xi32>
      %reduce_min3A_50 = arith.constant dense<2147483647> : vector<128xi32>
      %reduce_min3A_51 = vector.multi_reduction <minsi>, %select_n3A, %reduce_min3A_50 [1] : vector<128x8192xi32> to vector<128xi32>
      %broadcast_in_dim3A_52 = vector.shape_cast %reduce_min3A_51 : vector<128xi32> to vector<128x1xi32>
      %eq3A_53 = vector.broadcast %broadcast_in_dim3A_52 : vector<128x1xi32> to vector<128x8192xi32>
      %eq3A_54 = arith.cmpi eq, %select_n3A, %eq3A_53 : vector<128x8192xi32>
      %jit3A = arith.constant 3.000000e+38 : f32
      %broadcast_in_dim3A_55 = vector.broadcast %jit3A : f32 to vector<128x8192xf32>
      %select_n3A_56 = arith.select %eq3A_54, %broadcast_in_dim3A_55, %get3A_45 : vector<128x8192xi1>, vector<128x8192xf32>
      %swap3A_57 = arith.constant 0 : index
      %swap3A_58 = arith.constant 0 : index
      %swap3A_59 = vector.load %arg6[%swap3A_57, %swap3A_58] : memref<128x8192xf32, #tpu.memory_space<vmem>>, vector<128x8192xf32>
      tpu.vector_store %arg6[%swap3A_57, %swap3A_58], %select_n3A_56 {strides = array<i32>} : memref<128x8192xf32, #tpu.memory_space<vmem>>, vector<128x8192xf32>,
      %eq3A_60 = vector.broadcast %scan3A_41 : i32 to vector<128x32xi32>
      %eq3A_61 = arith.cmpi eq, %iota3A_17, %eq3A_60 : vector<128x32xi32>
      %broadcast_in_dim3A_62 = vector.shape_cast %reduce_min3A_51 : vector<128xi32> to vector<128x1xi32>
      %broadcast_in_dim3A_63 = vector.shape_cast %broadcast_in_dim3A_62 : vector<128x1xi32> to vector<128x1xi32>
      %broadcast_in_dim3A_64 = vector.broadcast %broadcast_in_dim3A_63 : vector<128x1xi32> to vector<128x32xi32>
      %select_n3A_65 = arith.select %eq3A_61, %broadcast_in_dim3A_64, %scan3A_42 : vector<128x32xi1>, vector<128x32xi32>
      scf.yield %select_n3A_65 : vector<128x32xi32>
    }
    %scan3A_25 = arith.constant 32 : i32
    %mul3A_26 = arith.constant 8192 : i32
    %mul3A_27 = arith.muli %arg0, %mul3A_26 : i32
    %add3A = vector.broadcast %mul3A_27 : i32 to vector<128x32xi32>
    %add3A_28 = arith.addi %scan3A_24, %add3A : vector<128x32xi32>
    %swap3A_29 = arith.constant 0 : index
    %swap3A_30 = arith.constant 0 : index
    %swap3A_31 = arith.constant 0 : index
    %swap3A_32 = vector.load %arg4[%swap3A_29, %swap3A_30, %swap3A_31] : memref<1x128x32xi32, #tpu.memory_space<vmem>>, vector<1x128x32xi32>
    %swap3A_33 = vector.shape_cast %swap3A_32 : vector<1x128x32xi32> to vector<128x32xi32>
    %swap3A_34 = vector.shape_cast %add3A_28 : vector<128x32xi32> to vector<1x128x32xi32>
    tpu.vector_store %arg4[%swap3A_29, %swap3A_30, %swap3A_31], %swap3A_34 {strides = array<i32>} : memref<1x128x32xi32, #tpu.memory_space<vmem>>, vector<1x128x32xi32>,
    %swap3A_35 = arith.constant 0 : index
    %swap3A_36 = arith.constant 0 : index
    %swap3A_37 = arith.constant 0 : index
    %swap3A_38 = vector.load %arg5[%swap3A_35, %swap3A_36, %swap3A_37] : memref<1x128x3xf32, #tpu.memory_space<vmem>>, vector<1x128x3xf32>
    %swap3A_39 = vector.shape_cast %swap3A_38 : vector<1x128x3xf32> to vector<128x3xf32>
    %swap3A_40 = vector.shape_cast %get3A_3 : vector<128x3xf32> to vector<1x128x3xf32>
    tpu.vector_store %arg5[%swap3A_35, %swap3A_36, %swap3A_37], %swap3A_40 {strides = array<i32>} : memref<1x128x3xf32, #tpu.memory_space<vmem>>, vector<1x128x3xf32>,
    return
  }
  func.func @transform_0(%arg0: i32, %arg1: i32) -> (i32, i32, i32) {
    %c0_i32 = arith.constant 0 : i32
    %c0_i32_0 = arith.constant 0 : i32
    return %arg0, %arg1, %c0_i32 : i32, i32, i32
  }
  func.func @transform_1(%arg0: i32, %arg1: i32) -> (i32, i32, i32) {
    %c0_i32 = arith.constant 0 : i32
    %c0_i32_0 = arith.constant 0 : i32
    %c0_i32_1 = arith.constant 0 : i32
    return %arg0, %c0_i32, %c0_i32_0 : i32, i32, i32
  }
  func.func @transform_2(%arg0: i32, %arg1: i32) -> (i32, i32, i32) {
    %c0_i32 = arith.constant 0 : i32
    %c0_i32_0 = arith.constant 0 : i32
    return %arg0, %arg1, %c0_i32 : i32, i32, i32
  }
  func.func @transform_3(%arg0: i32, %arg1: i32) -> (i32, i32, i32) {
    %c0_i32 = arith.constant 0 : i32
    %c0_i32_0 = arith.constant 0 : i32
    return %arg0, %arg1, %c0_i32 : i32, i32, i32
  }
}

module attributes {stable_mosaic.version = 14 : i64} {
  func.func @_l0_kernel(%arg0: i32, %arg1: memref<2048x32xf32, #tpu.memory_space<vmem>>, %arg2: memref<64x3xf32, #tpu.memory_space<vmem>>, %arg3: memref<32x32xf32, #tpu.memory_space<vmem>>, %arg4: memref<3x32xf32, #tpu.memory_space<vmem>>, %arg5: memref<1x32xf32, #tpu.memory_space<vmem>>, %arg6: memref<2048x32xf32, #tpu.memory_space<vmem>>, %arg7: memref<2x32xf32, #tpu.memory_space<vmem>>) attributes {dimension_semantics = [#tpu.dimension_semantics<arbitrary>], iteration_bounds = array<i64: 128>, scalar_prefetch = 0 : i64, scratch_operands = 0 : i64, tpu.core_type = #tpu.core_type<tc>, window_params = [{transform_indices = @transform_0, window_bounds = array<i64: 2048, 32>}, {transform_indices = @transform_1, window_bounds = array<i64: 64, 3>}, {pipeline_mode = #tpu.pipeline_mode<synchronous>, transform_indices = @transform_2, window_bounds = array<i64: 32, 32>}, {pipeline_mode = #tpu.pipeline_mode<synchronous>, transform_indices = @transform_3, window_bounds = array<i64: 3, 32>}, {pipeline_mode = #tpu.pipeline_mode<synchronous>, transform_indices = @transform_4, window_bounds = array<i64: 1, 32>}, {transform_indices = @transform_5, window_bounds = array<i64: 2048, 32>}, {pipeline_mode = #tpu.pipeline_mode<synchronous>, transform_indices = @transform_6, window_bounds = array<i64: 2, 32>}]} {
    %get3A = arith.constant 0 : index
    %get3A_0 = arith.constant 0 : index
    %get3A_1 = vector.load %arg2[%get3A, %get3A_0] : memref<64x3xf32, #tpu.memory_space<vmem>>, vector<64x3xf32>
    %get3A_2 = arith.constant 0 : index
    %get3A_3 = arith.constant 0 : index
    %get3A_4 = vector.load %arg4[%get3A_2, %get3A_3] : memref<3x32xf32, #tpu.memory_space<vmem>>, vector<3x32xf32>
    %dot_general3A = arith.constant dense<0.000000e+00> : vector<64x32xf32>
    %dot_general3A_5 = tpu.matmul %get3A_1, %get3A_4, %dot_general3A {dimension_numbers = #tpu.dot_dimension_numbers<[1], [0], [0], [1], [0, 0, 1, 1], [], []>, transpose_lhs_hint = false} : vector<64x3xf32>, vector<3x32xf32>, vector<64x32xf32> -> vector<64x32xf32>
    %broadcast_in_dim3A = vector.shape_cast %dot_general3A_5 : vector<64x32xf32> to vector<64x1x32xf32>
    %broadcast_in_dim3A_6 = vector.shape_cast %broadcast_in_dim3A : vector<64x1x32xf32> to vector<64x1x32xf32>
    %broadcast_in_dim3A_7 = vector.broadcast %broadcast_in_dim3A_6 : vector<64x1x32xf32> to vector<64x32x32xf32>
    %reshape3A = vector.shape_cast %broadcast_in_dim3A_7 : vector<64x32x32xf32> to vector<2048x32xf32>
    %get3A_8 = arith.constant 0 : index
    %get3A_9 = arith.constant 0 : index
    %get3A_10 = vector.load %arg1[%get3A_8, %get3A_9] : memref<2048x32xf32, #tpu.memory_space<vmem>>, vector<2048x32xf32>
    %get3A_11 = arith.constant 0 : index
    %get3A_12 = arith.constant 0 : index
    %get3A_13 = vector.load %arg3[%get3A_11, %get3A_12] : memref<32x32xf32, #tpu.memory_space<vmem>>, vector<32x32xf32>
    %dot_general3A_14 = arith.constant dense<0.000000e+00> : vector<2048x32xf32>
    %dot_general3A_15 = tpu.matmul %get3A_10, %get3A_13, %dot_general3A_14 {dimension_numbers = #tpu.dot_dimension_numbers<[1], [0], [0], [1], [0, 0, 1, 1], [], []>, transpose_lhs_hint = false} : vector<2048x32xf32>, vector<32x32xf32>, vector<2048x32xf32> -> vector<2048x32xf32>
    %sub3A = arith.subf %dot_general3A_15, %reshape3A : vector<2048x32xf32>
    %get3A_16 = arith.constant 0 : index
    %get3A_17 = arith.constant 0 : index
    %get3A_18 = vector.load %arg5[%get3A_16, %get3A_17] : memref<1x32xf32, #tpu.memory_space<vmem>>, vector<1x32xf32>
    %add3A = vector.broadcast %get3A_18 : vector<1x32xf32> to vector<2048x32xf32>
    %add3A_19 = arith.addf %sub3A, %add3A : vector<2048x32xf32>
    %swap3A = arith.constant 0 : index
    %swap3A_20 = arith.constant 0 : index
    %swap3A_21 = vector.load %arg6[%swap3A, %swap3A_20] : memref<2048x32xf32, #tpu.memory_space<vmem>>, vector<2048x32xf32>
    tpu.vector_store %arg6[%swap3A, %swap3A_20], %add3A_19 {strides = array<i32>} : memref<2048x32xf32, #tpu.memory_space<vmem>>, vector<2048x32xf32>,
    %reduce_sum3A = arith.constant dense<0.000000e+00> : vector<32xf32>
    %reduce_sum3A_22 = vector.multi_reduction <add>, %add3A_19, %reduce_sum3A [0] : vector<2048x32xf32> to vector<32xf32>
    %mul3A = arith.mulf %add3A_19, %add3A_19 : vector<2048x32xf32>
    %reduce_sum3A_23 = arith.constant dense<0.000000e+00> : vector<32xf32>
    %reduce_sum3A_24 = vector.multi_reduction <add>, %mul3A, %reduce_sum3A_23 [0] : vector<2048x32xf32> to vector<32xf32>
    %broadcast_in_dim3A_25 = vector.shape_cast %reduce_sum3A_22 : vector<32xf32> to vector<1x32xf32>
    %broadcast_in_dim3A_26 = vector.shape_cast %reduce_sum3A_24 : vector<32xf32> to vector<1x32xf32>
    %concatenate3A = tpu.concatenate %broadcast_in_dim3A_25, %broadcast_in_dim3A_26 in 0 : vector<1x32xf32>, vector<1x32xf32> -> vector<2x32xf32>
    %eq3A = arith.constant 0 : i32
    %eq3A_27 = arith.cmpi eq, %arg0, %eq3A : i32
    %convert_element_type3A = arith.extui %eq3A_27 : i1 to i32
    %cond3A = arith.constant 0 : i32
    %cond3A_28 = arith.cmpi ne, %convert_element_type3A, %cond3A : i32
    scf.if %cond3A_28 {
      %swap3A_33 = arith.constant 0 : index
      %swap3A_34 = arith.constant 0 : index
      %swap3A_35 = vector.load %arg7[%swap3A_33, %swap3A_34] : memref<2x32xf32, #tpu.memory_space<vmem>>, vector<2x32xf32>
      tpu.vector_store %arg7[%swap3A_33, %swap3A_34], %concatenate3A {strides = array<i32>} : memref<2x32xf32, #tpu.memory_space<vmem>>, vector<2x32xf32>,
    } else {
    }
    %ne3A = arith.constant 0 : i32
    %ne3A_29 = arith.cmpi ne, %arg0, %ne3A : i32
    %convert_element_type3A_30 = arith.extui %ne3A_29 : i1 to i32
    %cond3A_31 = arith.constant 0 : i32
    %cond3A_32 = arith.cmpi ne, %convert_element_type3A_30, %cond3A_31 : i32
    scf.if %cond3A_32 {
      %get3A_33 = arith.constant 0 : index
      %get3A_34 = arith.constant 0 : index
      %get3A_35 = vector.load %arg7[%get3A_33, %get3A_34] : memref<2x32xf32, #tpu.memory_space<vmem>>, vector<2x32xf32>
      %add3A_36 = arith.addf %get3A_35, %concatenate3A : vector<2x32xf32>
      %swap3A_37 = arith.constant 0 : index
      %swap3A_38 = arith.constant 0 : index
      %swap3A_39 = vector.load %arg7[%swap3A_37, %swap3A_38] : memref<2x32xf32, #tpu.memory_space<vmem>>, vector<2x32xf32>
      tpu.vector_store %arg7[%swap3A_37, %swap3A_38], %add3A_36 {strides = array<i32>} : memref<2x32xf32, #tpu.memory_space<vmem>>, vector<2x32xf32>,
    } else {
    }
    return
  }
  func.func @transform_0(%arg0: i32) -> (i32, i32) {
    %c0_i32 = arith.constant 0 : i32
    %c0_i32_0 = arith.constant 0 : i32
    return %arg0, %c0_i32 : i32, i32
  }
  func.func @transform_1(%arg0: i32) -> (i32, i32) {
    %c0_i32 = arith.constant 0 : i32
    %c0_i32_0 = arith.constant 0 : i32
    return %arg0, %c0_i32 : i32, i32
  }
  func.func @transform_2(%arg0: i32) -> (i32, i32) {
    %c0_i32 = arith.constant 0 : i32
    %c0_i32_0 = arith.constant 0 : i32
    %c0_i32_1 = arith.constant 0 : i32
    return %c0_i32, %c0_i32_0 : i32, i32
  }
  func.func @transform_3(%arg0: i32) -> (i32, i32) {
    %c0_i32 = arith.constant 0 : i32
    %c0_i32_0 = arith.constant 0 : i32
    %c0_i32_1 = arith.constant 0 : i32
    return %c0_i32, %c0_i32_0 : i32, i32
  }
  func.func @transform_4(%arg0: i32) -> (i32, i32) {
    %c0_i32 = arith.constant 0 : i32
    %c0_i32_0 = arith.constant 0 : i32
    %c0_i32_1 = arith.constant 0 : i32
    return %c0_i32, %c0_i32_0 : i32, i32
  }
  func.func @transform_5(%arg0: i32) -> (i32, i32) {
    %c0_i32 = arith.constant 0 : i32
    %c0_i32_0 = arith.constant 0 : i32
    return %arg0, %c0_i32 : i32, i32
  }
  func.func @transform_6(%arg0: i32) -> (i32, i32) {
    %c0_i32 = arith.constant 0 : i32
    %c0_i32_0 = arith.constant 0 : i32
    %c0_i32_1 = arith.constant 0 : i32
    return %c0_i32, %c0_i32_0 : i32, i32
  }
}

module attributes {stable_mosaic.version = 14 : i64} {
  func.func @_mid_kernel(%arg0: i32, %arg1: memref<2048x32xf32, #tpu.memory_space<vmem>>, %arg2: memref<2x32xf32, #tpu.memory_space<vmem>>, %arg3: memref<1x32xf32, #tpu.memory_space<vmem>>, %arg4: memref<1x32xf32, #tpu.memory_space<vmem>>, %arg5: memref<32x32xf32, #tpu.memory_space<vmem>>, %arg6: memref<1x32xf32, #tpu.memory_space<vmem>>, %arg7: memref<2048x32xf32, #tpu.memory_space<vmem>>, %arg8: memref<2x32xf32, #tpu.memory_space<vmem>>) attributes {dimension_semantics = [#tpu.dimension_semantics<arbitrary>], iteration_bounds = array<i64: 128>, scalar_prefetch = 0 : i64, scratch_operands = 0 : i64, tpu.core_type = #tpu.core_type<tc>, window_params = [{transform_indices = @transform_0, window_bounds = array<i64: 2048, 32>}, {pipeline_mode = #tpu.pipeline_mode<synchronous>, transform_indices = @transform_1, window_bounds = array<i64: 2, 32>}, {pipeline_mode = #tpu.pipeline_mode<synchronous>, transform_indices = @transform_2, window_bounds = array<i64: 1, 32>}, {pipeline_mode = #tpu.pipeline_mode<synchronous>, transform_indices = @transform_3, window_bounds = array<i64: 1, 32>}, {pipeline_mode = #tpu.pipeline_mode<synchronous>, transform_indices = @transform_4, window_bounds = array<i64: 32, 32>}, {pipeline_mode = #tpu.pipeline_mode<synchronous>, transform_indices = @transform_5, window_bounds = array<i64: 1, 32>}, {transform_indices = @transform_6, window_bounds = array<i64: 2048, 32>}, {pipeline_mode = #tpu.pipeline_mode<synchronous>, transform_indices = @transform_7, window_bounds = array<i64: 2, 32>}]} {
    %get3A = arith.constant 0 : index
    %get3A_0 = arith.constant 0 : index
    %get3A_1 = vector.load %arg2[%get3A, %get3A_0] : memref<2x32xf32, #tpu.memory_space<vmem>>, vector<2x32xf32>
    %get3A_2 = arith.constant 0 : index
    %get3A_3 = arith.constant 0 : index
    %get3A_4 = vector.load %arg3[%get3A_2, %get3A_3] : memref<1x32xf32, #tpu.memory_space<vmem>>, vector<1x32xf32>
    %get3A_5 = arith.constant 0 : index
    %get3A_6 = arith.constant 0 : index
    %get3A_7 = vector.load %arg4[%get3A_5, %get3A_6] : memref<1x32xf32, #tpu.memory_space<vmem>>, vector<1x32xf32>
    %slice3A = vector.extract_strided_slice %get3A_1 {offsets = [0, 0], sizes = [1, 32], strides = [1, 1]} : vector<2x32xf32> to vector<1x32xf32>
    %mul3A = arith.constant 3.81469727E-6 : f32
    %mul3A_8 = vector.broadcast %mul3A : f32 to vector<1x32xf32>
    %mul3A_9 = arith.mulf %slice3A, %mul3A_8 : vector<1x32xf32>
    %slice3A_10 = vector.extract_strided_slice %get3A_1 {offsets = [1, 0], sizes = [1, 32], strides = [1, 1]} : vector<2x32xf32> to vector<1x32xf32>
    %mul3A_11 = arith.constant 3.81469727E-6 : f32
    %mul3A_12 = vector.broadcast %mul3A_11 : f32 to vector<1x32xf32>
    %mul3A_13 = arith.mulf %slice3A_10, %mul3A_12 : vector<1x32xf32>
    %mul3A_14 = arith.mulf %mul3A_9, %mul3A_9 : vector<1x32xf32>
    %sub3A = arith.subf %mul3A_13, %mul3A_14 : vector<1x32xf32>
    %add3A = arith.constant 9.99999974E-6 : f32
    %add3A_15 = vector.broadcast %add3A : f32 to vector<1x32xf32>
    %add3A_16 = arith.addf %sub3A, %add3A_15 : vector<1x32xf32>
    %rsqrt3A = math.rsqrt %add3A_16 : vector<1x32xf32>
    %mul3A_17 = arith.mulf %rsqrt3A, %get3A_4 : vector<1x32xf32>
    %get3A_18 = arith.constant 0 : index
    %get3A_19 = arith.constant 0 : index
    %get3A_20 = vector.load %arg1[%get3A_18, %get3A_19] : memref<2048x32xf32, #tpu.memory_space<vmem>>, vector<2048x32xf32>
    %sub3A_21 = vector.broadcast %mul3A_9 : vector<1x32xf32> to vector<2048x32xf32>
    %sub3A_22 = arith.subf %get3A_20, %sub3A_21 : vector<2048x32xf32>
    %mul3A_23 = vector.broadcast %mul3A_17 : vector<1x32xf32> to vector<2048x32xf32>
    %mul3A_24 = arith.mulf %sub3A_22, %mul3A_23 : vector<2048x32xf32>
    %add3A_25 = vector.broadcast %get3A_7 : vector<1x32xf32> to vector<2048x32xf32>
    %add3A_26 = arith.addf %mul3A_24, %add3A_25 : vector<2048x32xf32>
    %max3A = arith.constant 0.000000e+00 : f32
    %max3A_27 = vector.broadcast %max3A : f32 to vector<2048x32xf32>
    %max3A_28 = arith.maximumf %add3A_26, %max3A_27 : vector<2048x32xf32>
    %get3A_29 = arith.constant 0 : index
    %get3A_30 = arith.constant 0 : index
    %get3A_31 = vector.load %arg5[%get3A_29, %get3A_30] : memref<32x32xf32, #tpu.memory_space<vmem>>, vector<32x32xf32>
    %dot_general3A = arith.constant dense<0.000000e+00> : vector<2048x32xf32>
    %dot_general3A_32 = tpu.matmul %max3A_28, %get3A_31, %dot_general3A {dimension_numbers = #tpu.dot_dimension_numbers<[1], [0], [0], [1], [0, 0, 1, 1], [], []>, transpose_lhs_hint = false} : vector<2048x32xf32>, vector<32x32xf32>, vector<2048x32xf32> -> vector<2048x32xf32>
    %get3A_33 = arith.constant 0 : index
    %get3A_34 = arith.constant 0 : index
    %get3A_35 = vector.load %arg6[%get3A_33, %get3A_34] : memref<1x32xf32, #tpu.memory_space<vmem>>, vector<1x32xf32>
    %add3A_36 = vector.broadcast %get3A_35 : vector<1x32xf32> to vector<2048x32xf32>
    %add3A_37 = arith.addf %dot_general3A_32, %add3A_36 : vector<2048x32xf32>
    %swap3A = arith.constant 0 : index
    %swap3A_38 = arith.constant 0 : index
    %swap3A_39 = vector.load %arg7[%swap3A, %swap3A_38] : memref<2048x32xf32, #tpu.memory_space<vmem>>, vector<2048x32xf32>
    tpu.vector_store %arg7[%swap3A, %swap3A_38], %add3A_37 {strides = array<i32>} : memref<2048x32xf32, #tpu.memory_space<vmem>>, vector<2048x32xf32>,
    %reduce_sum3A = arith.constant dense<0.000000e+00> : vector<32xf32>
    %reduce_sum3A_40 = vector.multi_reduction <add>, %add3A_37, %reduce_sum3A [0] : vector<2048x32xf32> to vector<32xf32>
    %mul3A_41 = arith.mulf %add3A_37, %add3A_37 : vector<2048x32xf32>
    %reduce_sum3A_42 = arith.constant dense<0.000000e+00> : vector<32xf32>
    %reduce_sum3A_43 = vector.multi_reduction <add>, %mul3A_41, %reduce_sum3A_42 [0] : vector<2048x32xf32> to vector<32xf32>
    %broadcast_in_dim3A = vector.shape_cast %reduce_sum3A_40 : vector<32xf32> to vector<1x32xf32>
    %broadcast_in_dim3A_44 = vector.shape_cast %reduce_sum3A_43 : vector<32xf32> to vector<1x32xf32>
    %concatenate3A = tpu.concatenate %broadcast_in_dim3A, %broadcast_in_dim3A_44 in 0 : vector<1x32xf32>, vector<1x32xf32> -> vector<2x32xf32>
    %eq3A = arith.constant 0 : i32
    %eq3A_45 = arith.cmpi eq, %arg0, %eq3A : i32
    %convert_element_type3A = arith.extui %eq3A_45 : i1 to i32
    %cond3A = arith.constant 0 : i32
    %cond3A_46 = arith.cmpi ne, %convert_element_type3A, %cond3A : i32
    scf.if %cond3A_46 {
      %swap3A_51 = arith.constant 0 : index
      %swap3A_52 = arith.constant 0 : index
      %swap3A_53 = vector.load %arg8[%swap3A_51, %swap3A_52] : memref<2x32xf32, #tpu.memory_space<vmem>>, vector<2x32xf32>
      tpu.vector_store %arg8[%swap3A_51, %swap3A_52], %concatenate3A {strides = array<i32>} : memref<2x32xf32, #tpu.memory_space<vmem>>, vector<2x32xf32>,
    } else {
    }
    %ne3A = arith.constant 0 : i32
    %ne3A_47 = arith.cmpi ne, %arg0, %ne3A : i32
    %convert_element_type3A_48 = arith.extui %ne3A_47 : i1 to i32
    %cond3A_49 = arith.constant 0 : i32
    %cond3A_50 = arith.cmpi ne, %convert_element_type3A_48, %cond3A_49 : i32
    scf.if %cond3A_50 {
      %get3A_51 = arith.constant 0 : index
      %get3A_52 = arith.constant 0 : index
      %get3A_53 = vector.load %arg8[%get3A_51, %get3A_52] : memref<2x32xf32, #tpu.memory_space<vmem>>, vector<2x32xf32>
      %add3A_54 = arith.addf %get3A_53, %concatenate3A : vector<2x32xf32>
      %swap3A_55 = arith.constant 0 : index
      %swap3A_56 = arith.constant 0 : index
      %swap3A_57 = vector.load %arg8[%swap3A_55, %swap3A_56] : memref<2x32xf32, #tpu.memory_space<vmem>>, vector<2x32xf32>
      tpu.vector_store %arg8[%swap3A_55, %swap3A_56], %add3A_54 {strides = array<i32>} : memref<2x32xf32, #tpu.memory_space<vmem>>, vector<2x32xf32>,
    } else {
    }
    return
  }
  func.func @transform_0(%arg0: i32) -> (i32, i32) {
    %c0_i32 = arith.constant 0 : i32
    %c0_i32_0 = arith.constant 0 : i32
    return %arg0, %c0_i32 : i32, i32
  }
  func.func @transform_1(%arg0: i32) -> (i32, i32) {
    %c0_i32 = arith.constant 0 : i32
    %c0_i32_0 = arith.constant 0 : i32
    %c0_i32_1 = arith.constant 0 : i32
    return %c0_i32, %c0_i32_0 : i32, i32
  }
  func.func @transform_2(%arg0: i32) -> (i32, i32) {
    %c0_i32 = arith.constant 0 : i32
    %c0_i32_0 = arith.constant 0 : i32
    %c0_i32_1 = arith.constant 0 : i32
    return %c0_i32, %c0_i32_0 : i32, i32
  }
  func.func @transform_3(%arg0: i32) -> (i32, i32) {
    %c0_i32 = arith.constant 0 : i32
    %c0_i32_0 = arith.constant 0 : i32
    %c0_i32_1 = arith.constant 0 : i32
    return %c0_i32, %c0_i32_0 : i32, i32
  }
  func.func @transform_4(%arg0: i32) -> (i32, i32) {
    %c0_i32 = arith.constant 0 : i32
    %c0_i32_0 = arith.constant 0 : i32
    %c0_i32_1 = arith.constant 0 : i32
    return %c0_i32, %c0_i32_0 : i32, i32
  }
  func.func @transform_5(%arg0: i32) -> (i32, i32) {
    %c0_i32 = arith.constant 0 : i32
    %c0_i32_0 = arith.constant 0 : i32
    %c0_i32_1 = arith.constant 0 : i32
    return %c0_i32, %c0_i32_0 : i32, i32
  }
  func.func @transform_6(%arg0: i32) -> (i32, i32) {
    %c0_i32 = arith.constant 0 : i32
    %c0_i32_0 = arith.constant 0 : i32
    return %arg0, %c0_i32 : i32, i32
  }
  func.func @transform_7(%arg0: i32) -> (i32, i32) {
    %c0_i32 = arith.constant 0 : i32
    %c0_i32_0 = arith.constant 0 : i32
    %c0_i32_1 = arith.constant 0 : i32
    return %c0_i32, %c0_i32_0 : i32, i32
  }
}

module attributes {stable_mosaic.version = 14 : i64} {
  func.func @_mid_kernel(%arg0: i32, %arg1: memref<2048x32xf32, #tpu.memory_space<vmem>>, %arg2: memref<2x32xf32, #tpu.memory_space<vmem>>, %arg3: memref<1x32xf32, #tpu.memory_space<vmem>>, %arg4: memref<1x32xf32, #tpu.memory_space<vmem>>, %arg5: memref<32x64xf32, #tpu.memory_space<vmem>>, %arg6: memref<1x64xf32, #tpu.memory_space<vmem>>, %arg7: memref<2048x64xf32, #tpu.memory_space<vmem>>, %arg8: memref<2x64xf32, #tpu.memory_space<vmem>>) attributes {dimension_semantics = [#tpu.dimension_semantics<arbitrary>], iteration_bounds = array<i64: 128>, scalar_prefetch = 0 : i64, scratch_operands = 0 : i64, tpu.core_type = #tpu.core_type<tc>, window_params = [{transform_indices = @transform_0, window_bounds = array<i64: 2048, 32>}, {pipeline_mode = #tpu.pipeline_mode<synchronous>, transform_indices = @transform_1, window_bounds = array<i64: 2, 32>}, {pipeline_mode = #tpu.pipeline_mode<synchronous>, transform_indices = @transform_2, window_bounds = array<i64: 1, 32>}, {pipeline_mode = #tpu.pipeline_mode<synchronous>, transform_indices = @transform_3, window_bounds = array<i64: 1, 32>}, {pipeline_mode = #tpu.pipeline_mode<synchronous>, transform_indices = @transform_4, window_bounds = array<i64: 32, 64>}, {pipeline_mode = #tpu.pipeline_mode<synchronous>, transform_indices = @transform_5, window_bounds = array<i64: 1, 64>}, {transform_indices = @transform_6, window_bounds = array<i64: 2048, 64>}, {pipeline_mode = #tpu.pipeline_mode<synchronous>, transform_indices = @transform_7, window_bounds = array<i64: 2, 64>}]} {
    %get3A = arith.constant 0 : index
    %get3A_0 = arith.constant 0 : index
    %get3A_1 = vector.load %arg2[%get3A, %get3A_0] : memref<2x32xf32, #tpu.memory_space<vmem>>, vector<2x32xf32>
    %get3A_2 = arith.constant 0 : index
    %get3A_3 = arith.constant 0 : index
    %get3A_4 = vector.load %arg3[%get3A_2, %get3A_3] : memref<1x32xf32, #tpu.memory_space<vmem>>, vector<1x32xf32>
    %get3A_5 = arith.constant 0 : index
    %get3A_6 = arith.constant 0 : index
    %get3A_7 = vector.load %arg4[%get3A_5, %get3A_6] : memref<1x32xf32, #tpu.memory_space<vmem>>, vector<1x32xf32>
    %slice3A = vector.extract_strided_slice %get3A_1 {offsets = [0, 0], sizes = [1, 32], strides = [1, 1]} : vector<2x32xf32> to vector<1x32xf32>
    %mul3A = arith.constant 3.81469727E-6 : f32
    %mul3A_8 = vector.broadcast %mul3A : f32 to vector<1x32xf32>
    %mul3A_9 = arith.mulf %slice3A, %mul3A_8 : vector<1x32xf32>
    %slice3A_10 = vector.extract_strided_slice %get3A_1 {offsets = [1, 0], sizes = [1, 32], strides = [1, 1]} : vector<2x32xf32> to vector<1x32xf32>
    %mul3A_11 = arith.constant 3.81469727E-6 : f32
    %mul3A_12 = vector.broadcast %mul3A_11 : f32 to vector<1x32xf32>
    %mul3A_13 = arith.mulf %slice3A_10, %mul3A_12 : vector<1x32xf32>
    %mul3A_14 = arith.mulf %mul3A_9, %mul3A_9 : vector<1x32xf32>
    %sub3A = arith.subf %mul3A_13, %mul3A_14 : vector<1x32xf32>
    %add3A = arith.constant 9.99999974E-6 : f32
    %add3A_15 = vector.broadcast %add3A : f32 to vector<1x32xf32>
    %add3A_16 = arith.addf %sub3A, %add3A_15 : vector<1x32xf32>
    %rsqrt3A = math.rsqrt %add3A_16 : vector<1x32xf32>
    %mul3A_17 = arith.mulf %rsqrt3A, %get3A_4 : vector<1x32xf32>
    %get3A_18 = arith.constant 0 : index
    %get3A_19 = arith.constant 0 : index
    %get3A_20 = vector.load %arg1[%get3A_18, %get3A_19] : memref<2048x32xf32, #tpu.memory_space<vmem>>, vector<2048x32xf32>
    %sub3A_21 = vector.broadcast %mul3A_9 : vector<1x32xf32> to vector<2048x32xf32>
    %sub3A_22 = arith.subf %get3A_20, %sub3A_21 : vector<2048x32xf32>
    %mul3A_23 = vector.broadcast %mul3A_17 : vector<1x32xf32> to vector<2048x32xf32>
    %mul3A_24 = arith.mulf %sub3A_22, %mul3A_23 : vector<2048x32xf32>
    %add3A_25 = vector.broadcast %get3A_7 : vector<1x32xf32> to vector<2048x32xf32>
    %add3A_26 = arith.addf %mul3A_24, %add3A_25 : vector<2048x32xf32>
    %max3A = arith.constant 0.000000e+00 : f32
    %max3A_27 = vector.broadcast %max3A : f32 to vector<2048x32xf32>
    %max3A_28 = arith.maximumf %add3A_26, %max3A_27 : vector<2048x32xf32>
    %get3A_29 = arith.constant 0 : index
    %get3A_30 = arith.constant 0 : index
    %get3A_31 = vector.load %arg5[%get3A_29, %get3A_30] : memref<32x64xf32, #tpu.memory_space<vmem>>, vector<32x64xf32>
    %dot_general3A = arith.constant dense<0.000000e+00> : vector<2048x64xf32>
    %dot_general3A_32 = tpu.matmul %max3A_28, %get3A_31, %dot_general3A {dimension_numbers = #tpu.dot_dimension_numbers<[1], [0], [0], [1], [0, 0, 1, 1], [], []>, transpose_lhs_hint = false} : vector<2048x32xf32>, vector<32x64xf32>, vector<2048x64xf32> -> vector<2048x64xf32>
    %get3A_33 = arith.constant 0 : index
    %get3A_34 = arith.constant 0 : index
    %get3A_35 = vector.load %arg6[%get3A_33, %get3A_34] : memref<1x64xf32, #tpu.memory_space<vmem>>, vector<1x64xf32>
    %add3A_36 = vector.broadcast %get3A_35 : vector<1x64xf32> to vector<2048x64xf32>
    %add3A_37 = arith.addf %dot_general3A_32, %add3A_36 : vector<2048x64xf32>
    %swap3A = arith.constant 0 : index
    %swap3A_38 = arith.constant 0 : index
    %swap3A_39 = vector.load %arg7[%swap3A, %swap3A_38] : memref<2048x64xf32, #tpu.memory_space<vmem>>, vector<2048x64xf32>
    tpu.vector_store %arg7[%swap3A, %swap3A_38], %add3A_37 {strides = array<i32>} : memref<2048x64xf32, #tpu.memory_space<vmem>>, vector<2048x64xf32>,
    %reduce_sum3A = arith.constant dense<0.000000e+00> : vector<64xf32>
    %reduce_sum3A_40 = vector.multi_reduction <add>, %add3A_37, %reduce_sum3A [0] : vector<2048x64xf32> to vector<64xf32>
    %mul3A_41 = arith.mulf %add3A_37, %add3A_37 : vector<2048x64xf32>
    %reduce_sum3A_42 = arith.constant dense<0.000000e+00> : vector<64xf32>
    %reduce_sum3A_43 = vector.multi_reduction <add>, %mul3A_41, %reduce_sum3A_42 [0] : vector<2048x64xf32> to vector<64xf32>
    %broadcast_in_dim3A = vector.shape_cast %reduce_sum3A_40 : vector<64xf32> to vector<1x64xf32>
    %broadcast_in_dim3A_44 = vector.shape_cast %reduce_sum3A_43 : vector<64xf32> to vector<1x64xf32>
    %concatenate3A = tpu.concatenate %broadcast_in_dim3A, %broadcast_in_dim3A_44 in 0 : vector<1x64xf32>, vector<1x64xf32> -> vector<2x64xf32>
    %eq3A = arith.constant 0 : i32
    %eq3A_45 = arith.cmpi eq, %arg0, %eq3A : i32
    %convert_element_type3A = arith.extui %eq3A_45 : i1 to i32
    %cond3A = arith.constant 0 : i32
    %cond3A_46 = arith.cmpi ne, %convert_element_type3A, %cond3A : i32
    scf.if %cond3A_46 {
      %swap3A_51 = arith.constant 0 : index
      %swap3A_52 = arith.constant 0 : index
      %swap3A_53 = vector.load %arg8[%swap3A_51, %swap3A_52] : memref<2x64xf32, #tpu.memory_space<vmem>>, vector<2x64xf32>
      tpu.vector_store %arg8[%swap3A_51, %swap3A_52], %concatenate3A {strides = array<i32>} : memref<2x64xf32, #tpu.memory_space<vmem>>, vector<2x64xf32>,
    } else {
    }
    %ne3A = arith.constant 0 : i32
    %ne3A_47 = arith.cmpi ne, %arg0, %ne3A : i32
    %convert_element_type3A_48 = arith.extui %ne3A_47 : i1 to i32
    %cond3A_49 = arith.constant 0 : i32
    %cond3A_50 = arith.cmpi ne, %convert_element_type3A_48, %cond3A_49 : i32
    scf.if %cond3A_50 {
      %get3A_51 = arith.constant 0 : index
      %get3A_52 = arith.constant 0 : index
      %get3A_53 = vector.load %arg8[%get3A_51, %get3A_52] : memref<2x64xf32, #tpu.memory_space<vmem>>, vector<2x64xf32>
      %add3A_54 = arith.addf %get3A_53, %concatenate3A : vector<2x64xf32>
      %swap3A_55 = arith.constant 0 : index
      %swap3A_56 = arith.constant 0 : index
      %swap3A_57 = vector.load %arg8[%swap3A_55, %swap3A_56] : memref<2x64xf32, #tpu.memory_space<vmem>>, vector<2x64xf32>
      tpu.vector_store %arg8[%swap3A_55, %swap3A_56], %add3A_54 {strides = array<i32>} : memref<2x64xf32, #tpu.memory_space<vmem>>, vector<2x64xf32>,
    } else {
    }
    return
  }
  func.func @transform_0(%arg0: i32) -> (i32, i32) {
    %c0_i32 = arith.constant 0 : i32
    %c0_i32_0 = arith.constant 0 : i32
    return %arg0, %c0_i32 : i32, i32
  }
  func.func @transform_1(%arg0: i32) -> (i32, i32) {
    %c0_i32 = arith.constant 0 : i32
    %c0_i32_0 = arith.constant 0 : i32
    %c0_i32_1 = arith.constant 0 : i32
    return %c0_i32, %c0_i32_0 : i32, i32
  }
  func.func @transform_2(%arg0: i32) -> (i32, i32) {
    %c0_i32 = arith.constant 0 : i32
    %c0_i32_0 = arith.constant 0 : i32
    %c0_i32_1 = arith.constant 0 : i32
    return %c0_i32, %c0_i32_0 : i32, i32
  }
  func.func @transform_3(%arg0: i32) -> (i32, i32) {
    %c0_i32 = arith.constant 0 : i32
    %c0_i32_0 = arith.constant 0 : i32
    %c0_i32_1 = arith.constant 0 : i32
    return %c0_i32, %c0_i32_0 : i32, i32
  }
  func.func @transform_4(%arg0: i32) -> (i32, i32) {
    %c0_i32 = arith.constant 0 : i32
    %c0_i32_0 = arith.constant 0 : i32
    %c0_i32_1 = arith.constant 0 : i32
    return %c0_i32, %c0_i32_0 : i32, i32
  }
  func.func @transform_5(%arg0: i32) -> (i32, i32) {
    %c0_i32 = arith.constant 0 : i32
    %c0_i32_0 = arith.constant 0 : i32
    %c0_i32_1 = arith.constant 0 : i32
    return %c0_i32, %c0_i32_0 : i32, i32
  }
  func.func @transform_6(%arg0: i32) -> (i32, i32) {
    %c0_i32 = arith.constant 0 : i32
    %c0_i32_0 = arith.constant 0 : i32
    return %arg0, %c0_i32 : i32, i32
  }
  func.func @transform_7(%arg0: i32) -> (i32, i32) {
    %c0_i32 = arith.constant 0 : i32
    %c0_i32_0 = arith.constant 0 : i32
    %c0_i32_1 = arith.constant 0 : i32
    return %c0_i32, %c0_i32_0 : i32, i32
  }
}

module attributes {stable_mosaic.version = 14 : i64} {
  func.func @_fin_kernel(%arg0: i32, %arg1: memref<2048x64xf32, #tpu.memory_space<vmem>>, %arg2: memref<2x64xf32, #tpu.memory_space<vmem>>, %arg3: memref<1x64xf32, #tpu.memory_space<vmem>>, %arg4: memref<1x64xf32, #tpu.memory_space<vmem>>, %arg5: memref<64x64xf32, #tpu.memory_space<vmem>>) attributes {dimension_semantics = [#tpu.dimension_semantics<arbitrary>], iteration_bounds = array<i64: 128>, scalar_prefetch = 0 : i64, scratch_operands = 0 : i64, tpu.core_type = #tpu.core_type<tc>, window_params = [{transform_indices = @transform_0, window_bounds = array<i64: 2048, 64>}, {pipeline_mode = #tpu.pipeline_mode<synchronous>, transform_indices = @transform_1, window_bounds = array<i64: 2, 64>}, {pipeline_mode = #tpu.pipeline_mode<synchronous>, transform_indices = @transform_2, window_bounds = array<i64: 1, 64>}, {pipeline_mode = #tpu.pipeline_mode<synchronous>, transform_indices = @transform_3, window_bounds = array<i64: 1, 64>}, {transform_indices = @transform_4, window_bounds = array<i64: 64, 64>}]} {
    %get3A = arith.constant 0 : index
    %get3A_0 = arith.constant 0 : index
    %get3A_1 = vector.load %arg2[%get3A, %get3A_0] : memref<2x64xf32, #tpu.memory_space<vmem>>, vector<2x64xf32>
    %get3A_2 = arith.constant 0 : index
    %get3A_3 = arith.constant 0 : index
    %get3A_4 = vector.load %arg3[%get3A_2, %get3A_3] : memref<1x64xf32, #tpu.memory_space<vmem>>, vector<1x64xf32>
    %get3A_5 = arith.constant 0 : index
    %get3A_6 = arith.constant 0 : index
    %get3A_7 = vector.load %arg4[%get3A_5, %get3A_6] : memref<1x64xf32, #tpu.memory_space<vmem>>, vector<1x64xf32>
    %slice3A = vector.extract_strided_slice %get3A_1 {offsets = [0, 0], sizes = [1, 64], strides = [1, 1]} : vector<2x64xf32> to vector<1x64xf32>
    %mul3A = arith.constant 3.81469727E-6 : f32
    %mul3A_8 = vector.broadcast %mul3A : f32 to vector<1x64xf32>
    %mul3A_9 = arith.mulf %slice3A, %mul3A_8 : vector<1x64xf32>
    %slice3A_10 = vector.extract_strided_slice %get3A_1 {offsets = [1, 0], sizes = [1, 64], strides = [1, 1]} : vector<2x64xf32> to vector<1x64xf32>
    %mul3A_11 = arith.constant 3.81469727E-6 : f32
    %mul3A_12 = vector.broadcast %mul3A_11 : f32 to vector<1x64xf32>
    %mul3A_13 = arith.mulf %slice3A_10, %mul3A_12 : vector<1x64xf32>
    %mul3A_14 = arith.mulf %mul3A_9, %mul3A_9 : vector<1x64xf32>
    %sub3A = arith.subf %mul3A_13, %mul3A_14 : vector<1x64xf32>
    %add3A = arith.constant 9.99999974E-6 : f32
    %add3A_15 = vector.broadcast %add3A : f32 to vector<1x64xf32>
    %add3A_16 = arith.addf %sub3A, %add3A_15 : vector<1x64xf32>
    %rsqrt3A = math.rsqrt %add3A_16 : vector<1x64xf32>
    %mul3A_17 = arith.mulf %rsqrt3A, %get3A_4 : vector<1x64xf32>
    %get3A_18 = arith.constant 0 : index
    %get3A_19 = arith.constant 0 : index
    %get3A_20 = vector.load %arg1[%get3A_18, %get3A_19] : memref<2048x64xf32, #tpu.memory_space<vmem>>, vector<2048x64xf32>
    %sub3A_21 = vector.broadcast %mul3A_9 : vector<1x64xf32> to vector<2048x64xf32>
    %sub3A_22 = arith.subf %get3A_20, %sub3A_21 : vector<2048x64xf32>
    %mul3A_23 = vector.broadcast %mul3A_17 : vector<1x64xf32> to vector<2048x64xf32>
    %mul3A_24 = arith.mulf %sub3A_22, %mul3A_23 : vector<2048x64xf32>
    %add3A_25 = vector.broadcast %get3A_7 : vector<1x64xf32> to vector<2048x64xf32>
    %add3A_26 = arith.addf %mul3A_24, %add3A_25 : vector<2048x64xf32>
    %max3A = arith.constant 0.000000e+00 : f32
    %max3A_27 = vector.broadcast %max3A : f32 to vector<2048x64xf32>
    %max3A_28 = arith.maximumf %add3A_26, %max3A_27 : vector<2048x64xf32>
    %reshape3A = vector.shape_cast %max3A_28 : vector<2048x64xf32> to vector<64x32x64xf32>
    %reduce_max3A = arith.constant dense<0xFF800000> : vector<64x64xf32>
    %reduce_max3A_29 = vector.multi_reduction <maximumf>, %reshape3A, %reduce_max3A [1] : vector<64x32x64xf32> to vector<64x64xf32>
    %swap3A = arith.constant 0 : index
    %swap3A_30 = arith.constant 0 : index
    %swap3A_31 = vector.load %arg5[%swap3A, %swap3A_30] : memref<64x64xf32, #tpu.memory_space<vmem>>, vector<64x64xf32>
    tpu.vector_store %arg5[%swap3A, %swap3A_30], %reduce_max3A_29 {strides = array<i32>} : memref<64x64xf32, #tpu.memory_space<vmem>>, vector<64x64xf32>,
    return
  }
  func.func @transform_0(%arg0: i32) -> (i32, i32) {
    %c0_i32 = arith.constant 0 : i32
    %c0_i32_0 = arith.constant 0 : i32
    return %arg0, %c0_i32 : i32, i32
  }
  func.func @transform_1(%arg0: i32) -> (i32, i32) {
    %c0_i32 = arith.constant 0 : i32
    %c0_i32_0 = arith.constant 0 : i32
    %c0_i32_1 = arith.constant 0 : i32
    return %c0_i32, %c0_i32_0 : i32, i32
  }
  func.func @transform_2(%arg0: i32) -> (i32, i32) {
    %c0_i32 = arith.constant 0 : i32
    %c0_i32_0 = arith.constant 0 : i32
    %c0_i32_1 = arith.constant 0 : i32
    return %c0_i32, %c0_i32_0 : i32, i32
  }
  func.func @transform_3(%arg0: i32) -> (i32, i32) {
    %c0_i32 = arith.constant 0 : i32
    %c0_i32_0 = arith.constant 0 : i32
    %c0_i32_1 = arith.constant 0 : i32
    return %c0_i32, %c0_i32_0 : i32, i32
  }
  func.func @transform_4(%arg0: i32) -> (i32, i32) {
    %c0_i32 = arith.constant 0 : i32
    %c0_i32_0 = arith.constant 0 : i32
    return %arg0, %c0_i32 : i32, i32
  }
}

</mosaic_0001>

<sc_bundles>
// kernel: gather_offload_async_start
scs
__scs_entry_jumppad:
0x0: {  	(pc) =	sbr.rel $0x88, $3  }
0x1: {  	(tag) =	ssettag $0x0;
	lr =	simm.s32 $0x1  }
0x2: {  	[smem:$0x3F93] =	sst lr;
	_ =	strace $0xD0000000  }
0x3: {  	_ = 	snop  }
0x4: {  	_ = 	snop  }
0x5: {  	_ = 	snop  }
0x6: {  	_ = 	snop  }
0x7: {  	_ = 	snop  }
__scs_overlays_trampoline_lowered:
0x8: {  	[smem:$0x3FA2] =	sst s0  }
0x9: {  	[smem:$0x3FA3] =	sst s1  }
0xa: {  	[smem:$0x3FA4] =	sst s2  }
0xb: {  	[smem:$0x3FA5] =	sst s3  }
0xc: {  	[smem:$0x3FA6] =	sst s4  }
0xd: {  	[smem:$0x3FA7] =	sst s5  }
0xe: {  	[smem:$0x3FA8] =	sst s6  }
0xf: {  	[smem:$0x3FA9] =	sst s7  }
0x10: {  	[smem:$0x3FAA] =	sst s8  }
0x11: {  	[smem:$0x3FAB] =	sst s9;
	s0 =	simm.s32 @!p0 $0x0  }
0x12: {  	s1 =	sld [smem:$0x3F91];
	s0 =	simm.s32 @p0 $0x1  }
0x13: {  	[smem:$0x3FAC] =	sst s0;
	s0 =	simm.s32 @!p1 $0x0  }
0x14: {  	s2 =	sld [smem:$0x3F90];
	s0 =	simm.s32 @p1 $0x1  }
0x15: {  	[smem:$0x3FAD] =	sst s0;
	s0 =	simm.s32 @!p2 $0x0  }
0x16: {  	s3 =	sld [smem:$0x3FDB];
	s0 =	simm.s32 @p2 $0x1  }
0x17: {  	s4 =	simm.s32 $0x1BF5;
	[smem:$0x3FAF] =	sst s0  }
0x18: {  	s0 =	sld [smem:$0x3F92];
	_ =	swait.ge [sflag:s4], $0x0  }
0x19: {  	s7 =	sld [smem:$0x3F93]  }
0x1a: {  	s8 =	sadd.s32 $0xFFFFE003, lr  }
0x1b: {  	s9 =	sadd.s32 $0xFFFFFEF7, lr;
	s5 =	simm.s32 $0xFFFFFFFF;
	p2 =	slt.u32 s8, $0xFFFFF086  }
0x1c: {  	p1 =	slt.u32 s9, $0xF7A;
	s5 =	simm.s32 @!p2 $0x0  }
0x1d: {  	s5 =	simm.s32 @p1 $0x1;
	p0 =	seq.s32 s7, s2  }
0x1e: {  	s7 =	smul.u32 @!p0 $0xF7A, s2;
	p2 =	seq.s32 @!p0 s5, $0x0  }
0x1f: {  	s9 =	smul.u32 $0xF7A, s1;
	s8 =	simm.s32 @!p0 $0x1BF5;
	p2 =	por !p2, p0  }
0x20: {  	[sflag:s8] =	ssyncset.s32 @!p0 $0xFFFFF086;
	s6 =	sadd.s32 @!p0 s3, s7;
	s7 =	simm.s32 @!p0 $0x108  }
0x21: {  	s3 =	sadd.s32 s3, s9;
	s6 =	sadd.s32 @!p0 $0x88, s6;
	s7 =	simm.s32 @p2 $0x1082  }
0x22: {  	[simem:s7], [sflag:s8] =	dma.local @!p0 [hbm:s6], $0xF7A  }
0x23: {  	s9 =	sor.u32 $0xD0000000, s2;
	s6 =	simm.s32 $0x108;
	_ =	swait.ge @!p0 [sflag:s8], $0x0  }
0x24: {  	s3 =	sadd.s32 $0x88, s3;
	s6 =	simm.s32 @!p1 $0x1082;
	[sflag:s4] =	ssyncset.s32 $0xFFFFF086  }
0x25: {  	[simem:s6], [sflag:s4] =	dma.local [hbm:s3], $0xF7A  }
0x26: {  	[smem:$0x3F93] =	sst s1;
	(tag) =	ssettag s2;
	_ =	strace s9  }
0x27: {  	s1 =	sld [smem:$0x3FA3]  }
0x28: {  	s2 =	sld [smem:$0x3FA4]  }
0x29: {  	s4 =	sld [smem:$0x3FA6]  }
0x2a: {  	p0 =	seq.s32 s5, $0x0;
	s5 =	sld [smem:$0x3FA7]  }
0x2b: {  	s6 =	sld [smem:$0x3FA8]  }
0x2c: {  	s7 =	sld [smem:$0x3FA9]  }
0x2d: {  	s3 =	simm.s32 $0x108;
	s8 =	sld [smem:$0x3FAA]  }
0x2e: {  	s3 =	simm.s32 @!p0 $0x1082;
	s9 =	sld [smem:$0x3FAB]  }
0x2f: {  	lr =	sadd.s32 s0, s3;
	s0 =	sld [smem:$0x3FA2]  }
0x30: {  	s3 =	sld [smem:$0x3FA5]  }
0x31: {  	[smem:$0x3FAE] =	sst s10  }
0x32: {  	s10 =	sld [smem:$0x3FAC];
	_ =	sdelay $0x3  }
0x33: {  	p0 =	seq.s32 s10, $0x1;
	s10 =	sld [smem:$0x3FAE];
	_ =	sdelay $0x3  }
0x34: {  	[smem:$0x3FAE] =	sst s10  }
0x35: {  	s10 =	sld [smem:$0x3FAD];
	_ =	sdelay $0x3  }
0x36: {  	p1 =	seq.s32 s10, $0x1;
	s10 =	sld [smem:$0x3FAE];
	_ =	sdelay $0x3  }
0x37: {  	[smem:$0x3FAE] =	sst s10  }
0x38: {  	s10 =	sld [smem:$0x3FAF]  }
0x39: {  	_ = 	snop;
	(pc) =	sbr.ind lr, $3  }
0x3a: {  	_ = 	snop  }
0x3b: {  	_ = 	snop  }
0x3c: {  	p2 =	seq.s32 s10, $0x1;
	s10 =	sld [smem:$0x3FAE]  }
0x3d: {  	_ =	shalt  }
0x3e: {  	_ =	shalt  }
0x3f: {  	_ =	shalt  }
0x40: {  	_ =	shalt  }
0x41: {  	_ =	shalt  }
0x42: {  	_ =	shalt  }
0x43: {  	_ =	shalt  }
0x44: {  	_ =	shalt  }
0x45: {  	_ =	shalt  }
0x46: {  	_ =	shalt  }
0x47: {  	_ =	shalt  }
0x48: {  	_ =	shalt  }
0x49: {  	_ =	shalt  }
0x4a: {  	_ =	shalt  }
0x4b: {  	_ =	shalt  }
0x4c: {  	_ =	shalt  }
0x4d: {  	_ =	shalt  }
0x4e: {  	_ =	shalt  }
0x4f: {  	_ =	shalt  }
0x50: {  	_ =	shalt  }
0x51: {  	_ =	shalt  }
0x52: {  	_ =	shalt  }
0x53: {  	_ =	shalt  }
0x54: {  	_ =	shalt  }
0x55: {  	_ =	shalt  }
0x56: {  	_ =	shalt  }
0x57: {  	_ =	shalt  }
0x58: {  	_ =	shalt  }
0x59: {  	_ =	shalt  }
0x5a: {  	_ =	shalt  }
0x5b: {  	_ =	shalt  }
0x5c: {  	_ =	shalt  }
0x5d: {  	_ =	shalt  }
0x5e: {  	_ =	shalt  }
0x5f: {  	_ =	shalt  }
0x60: {  	_ =	shalt  }
0x61: {  	_ =	shalt  }
0x62: {  	_ =	shalt  }
0x63: {  	_ =	shalt  }
0x64: {  	_ =	shalt  }
0x65: {  	_ =	shalt  }
0x66: {  	_ =	shalt  }
0x67: {  	_ =	shalt  }
0x68: {  	_ =	shalt  }
0x69: {  	_ =	shalt  }
0x6a: {  	_ =	shalt  }
0x6b: {  	_ =	shalt  }
0x6c: {  	_ =	shalt  }
0x6d: {  	_ =	shalt  }
0x6e: {  	_ =	shalt  }
0x6f: {  	_ =	shalt  }
0x70: {  	_ =	shalt  }
0x71: {  	_ =	shalt  }
0x72: {  	_ =	shalt  }
0x73: {  	_ =	shalt  }
0x74: {  	_ =	shalt  }
0x75: {  	_ =	shalt  }
0x76: {  	_ =	shalt  }
0x77: {  	_ =	shalt  }
0x78: {  	_ =	shalt  }
0x79: {  	_ =	shalt  }
0x7a: {  	_ =	shalt  }
0x7b: {  	_ =	shalt  }
0x7c: {  	_ =	shalt  }
0x7d: {  	_ =	shalt  }
0x7e: {  	_ =	shalt  }
0x7f: {  	_ =	shalt  }
0x80: {  	_ =	shalt  }
0x81: {  	_ =	shalt  }
0x82: {  	_ =	shalt  }
0x83: {  	_ =	shalt  }
0x84: {  	_ =	shalt  }
0x85: {  	_ =	shalt  }
0x86: {  	_ =	shalt  }
0x87: {  	_ =	shalt  }
.Lfunc_end0:
.L_simem_size_0:
called_computation_lowered:
.L_overlay_start_0:
0x88: {  	s2 =	sld [smem:$0x3FD9]  }
0x89: {  	s3 =	sld [smem:$0x3FFE];
	_ =	sdelay $0x1  }
0x8a: {  	s1 =	srdreg.scid  }
0x8b: {  	s0 =	sand.u32 $0x1, s1  }
0x8c: {  	s14 =	sshll.u32 s0, $0xA;
	s2 =	sadd.s32 s3, s2  }
0x8d: {  	s2 =	sadd.s32 s2, s14  }
0x8e: {  	[smem:$0x3FBA] =	sst s2  }
0x8f: {  	_ = 	snop  }
0x90: {  	s2 =	sld [smem:$0x3FD0];
	_ =	sdelay $0x2  }
0x91: {  	s15 =	simm.s32 $0xA;
	s4 =	simm.s32 $0x10  }
0x92: {  	[smem:s4], [sflag:s15] =	dma.local [hbm:s2], $0x1  }
0x93: {  	_ =	swait.eq [sflag:s15], $0x1  }
0x94: {  	[sflag:s15] =	ssyncset.done $0x0  }
0x95: {  	[sflag:s15] =	ssyncadd.s32 $0xFFFFFFFF  }
0x96: {  	s16 =	sld [smem:$0x10];
	(tm) =	ssettm $0x1  }
0x97: {  	s17 =	sld [smem:$0x3FFB];
	_ =	sdelay $0x3  }
0x98: {  	_ =	strace s17  }
0x99: {  	s3 =	sld [smem:$0x3FFC];
	_ =	sdelay $0x3  }
0x9a: {  	_ =	strace s3  }
0x9b: {  	s3 =	sld [smem:$0x3FFD];
	_ =	sdelay $0x3  }
0x9c: {  	_ =	strace s3  }
0x9d: {  	_ =	strace $0x8FFFFFFF  }
0x9e: {  	s18 =	sld [smem:$0x3FDB];
	_ =	sdelay $0x1  }
0x9f: {  	s19 =	simm.s32 $_scs_section_size  }
0xa0: {  	s5 =	simm.s32 $_size__tile_overlayer_lowered;
	s6 =	simm.s32 $_tile_overlayer_lowered  }
0xa1: {  	s22 =	simm.s32 $0x1BFF;
	s21 =	sshll.u32 s6, $0x1;
	s3 =	sadd.s32 s19, s18  }
0xa2: {  	s7 =	simm.s32 $0x0;
	s20 =	sshll.u32 s5, $0x1;
	s5 =	sadd.s32 s21, s3  }
0xa3: {  	[timem:s7], [sflag:s22] =	dma.local [hbm:s5], s20  }
0xa4: {  	_ =	swait.ge [sflag:s22], s20  }
0xa5: {  	s4 =	ssub.s32 $0x0, s20;
	[sflag:s22] =	ssyncset.done $0x0  }
0xa6: {  	[sflag:s22] =	ssyncadd.s32 s4;
	_ =	sdelay $0x1  }
0xa7: {  	s23 =	simm.s32 $0x1B8B  }
0xa8: {  	_ =	swait.ge [sflag:s23], $0x1  }
0xa9: {  	[sflag:s23] =	ssyncset.done $0x0  }
0xaa: {  	s25 =	simm.s32 $0x1B8E;
	s24 =	sld [smem:$0x3FFE];
	[sflag:s23] =	ssyncadd.s32 $0xFFFFFFFF  }
0xab: {  	s26 =	simm.s32 $execute0_lowered;
	[smem:$0x3FD2] =	sst s25  }
0xac: {  	s5 =	sshll.u32 s26, $0x1;
	_ =	strace $0x80000046;
	[dreg:$0x1] =	wrdreg $0xFFFFFFFF  }
0xad: {  	s28 =	simm.s32 $_size_execute0_lowered;
	s3 =	sadd.s32 s3, s5;
	[dreg:$0x0] =	wrdreg $0x0  }
0xae: {  	s5 =	sshll.u32 s28, $0x1;
	[dreg:$0x2] =	wrdreg s3  }
0xaf: {  	[dreg:$0x3] =	wrdreg s5  }
0xb0: {  	[dreg:$0x4] =	wrdreg $0xC0  }
0xb1: {  	_ =	task [dreg:s7], $0x5FFFF  }
0xb2: {  	[dreg:$0x1] =	wrdreg $0xFFFFFFFF  }
0xb3: {  	[dreg:$0x0] =	wrdreg $0x60  }
0xb4: {  	[dreg:$0x2] =	wrdreg s24  }
0xb5: {  	[dreg:$0x3] =	wrdreg s16  }
0xb6: {  	[dreg:$0x4] =	wrdreg $0x9  }
0xb7: {  	_ =	task.clear_ibuf [dreg:s7], $0x5FFFF;
	_ =	strace $0x90000046  }
0xb8: {  	s29 =	simm.s32 $0x9;
	_ =	strace $0x80000048  }
0xb9: {  	_ =	swait.ge [sflag:s29], $0x1  }
0xba: {  	[sflag:s29] =	ssyncadd.s32 $0xFFFFFFFF  }
0xbb: {  	_ =	strace $0x90000048  }
0xbc: {  	_ =	sfence  }
0xbd: {  	s30 =	sld [smem:$0x0];
	_ =	sdelay $0x2  }
0xbe: {  	s31 =	sshll.u32 s1, $0xD;
	s1 =	sshrl.u32 s1, $0x2  }
0xbf: {  	s3 =	sand.u32 $0x4000, s31;
	s1 =	sadd.s32 s1, s30  }
0xc0: {  	s0 =	sor.u32 s3, s0;
	s1 =	sshll.u32 s1, $0x11  }
0xc1: {  	s0 =	sor.u32 s1, s0  }
0xc2: {  	s0 =	sadd.s32 $0x8F2B, s0  }
0xc3: {  	[sflag:s0] =	ssyncadd.remote.s32 $0x1  }
0xc4: {  	_ =	sfence.sel $0xFFFF  }
0xc5: {  	[dreg:$0x0] =	wrdreg $0xFFFFFFFF;
	(pc) =	sbr.abs _section_cstart, $3  }
0xc6: {  	[dreg:$0x1] =	wrdreg $0xFFFFFFFF  }
0xc7: {  	_ =	task.clear_ibuf [dreg:s7], $0x2FFFF;
	_ =	strace $0x9FFFFFFF  }
0xc8: {  	(tm) =	ssettm $0x7FFFFFFF  }
0xc9: {  	_ =	shalt  }
tec
execute0_lowered:
.L_overlay_start_1:
0x0: {  	(tag) =	ssettag $0x1  }
0x1: {  	s7 =	rddreg [dreg:$0x0]  }
0x2: {  	s2 =	rddreg [dreg:$0x1]  }
0x3: {  	s0 =	rddreg [dreg:$0x2]  }
0x4: {  	s1 =	srdreg.scid;
	_ =	strace $0x80000047;
	s4 =	simm.s32 $0x1  }
0x5: {  	s9 =	simm.s32 $0x3;
	s12 =	simm.s32 $0x0;
	s5 =	sshll.u32 s1, $0x4  }
.Ltmp0:
0x6: {  	s1 =	stileid.u32;
	s5 =	sand.u32 $0x10, s5;
	(pc) =	sbr.rel .LBB2_1-.Ltmp0, $4  }
0x7: {  	s10 =	simm.s32 $0x0;
	s3 =	sadd.s32 $0x2E00, s7;
	s6 =	sor.u32 s1, s5  }
0x8: {  	[sflag:s4] =	ssyncpa.u1 $0x0;
	s5 =	simm.s32 $0x2;
	s6 =	sshll.u32 s6, $0x6  }
0x9: {  	s7 =	sadd.s32 $0x82E00, s7;
	[sflag:s5] =	ssyncpa.u1 $0x0;
	s8 =	sadd.s32 $0x40, s6  }
0xa: {  	vm0 =	vmmov $0xffff;
	[sflag:s9] =	ssyncpa.u1 $0x0;
	s9 =	simm.s32 $0x40;
	s11 =	smov.u32 s6  }
.LBB2_9:
0xb: {  	p0 =	seq.s32 s10, $0x2  }
.Ltmp1:
0xc: {  	_ = 	snop;
	(pc) =	sbr.rel @p0 .LBB2_11-.Ltmp1, $1  }
0xd: {  	_ =	sdelay $0x3  }
.LBB2_10:
0xe: {  	s12 =	sadd.s32 $0x40, s11  }
0xf: {  	s13 =	smov.u32 s6;
	p0 =	slt.s32 s12, s8  }
0x10: {  	s13 =	smov.u32 @p0 s12  }
0x11: {  	s10 =	sadd.s32 $0x1, s10;
	s12 =	smov.u32 s11;
	s11 =	smov.u32 s13  }
.LBB2_1:
0x12: {  	p0 =	sne.s32 s10, $0x0  }
.Ltmp2:
0x13: {  	_ = 	snop;
	(pc) =	sbr.rel @!p0 .LBB2_2-.Ltmp2, $1  }
0x14: {  	_ =	sdelay $0x3  }
0x15: {  	s13 =	sand.u32 $0x1, s10  }
0x16: {  	p0 =	seq.s32 s13, $0x0  }
.Ltmp3:
0x17: {  	_ = 	snop;
	(pc) =	sbr.rel @p0 .LBB2_9-.Ltmp3, $1  }
0x18: {  	_ =	sdelay $0x3  }
0x19: {  	_ =	swait.ge [sflag:s5], $0x40  }
0x1a: {  	[sflag:s5] =	ssyncset.done $0x0  }
0x1b: {  	s13 =	simm.s32 $0x0;
	[sflag:s5] =	ssyncadd.s32 $0xFFFFFFC0  }
0x1c: {  	v0 =	vld.msk [tilespmem:s13+$0x40 ss:$0x1], $0xffff;
	_ =	sdelay $0x4  }
0x1d: {  	vm1 =	vgt.s32 v0, $0x0  }
0x1e: {  	v0 =	vnsel vm1, $0x0, v0  }
0x1f: {  	v0 =	vmin.u32 v0, $0x1FFF  }
0x20: {  	v0 =	vshll.u32 v0, $0x6;
	_ =	sdelay $0x3  }
0x21: {  	s14 =	simm.s32 $0x10;
	s13 =	simm.s32 $0x8080  }
0x22: {  	[tilespmem:s13], [sflag:$0x1] =	stream.indirect_vreg.gather [hbm:s3], $0x200, v0, vm0, $0x38;
	[tilespmem:$0x10080] =	vst v63  }
0x23: {  	v0 =	vld.msk [tilespmem:s14+$0x40 ss:$0x1], $0xffff;
	s14 =	simm.s32 $0x80  }
.LBB2_5:
0x24: {  	p0 =	sne.s32 s14, $0xC0;
	_ =	sdelay $0x4  }
0x25: {  	vm1 =	vgt.s32 v0, $0x0  }
0x26: {  	v0 =	vnsel vm1, $0x0, v0  }
0x27: {  	v0 =	vmin.u32 v0, $0x1FFF  }
0x28: {  	v0 =	vshll.u32 v0, $0x6;
	_ =	sdelay $0x1  }
.Ltmp4:
0x29: {  	(pc) =	sbr.rel @p0 .LBB2_5-.Ltmp4, $4  }
0x2a: {  	_ = 	snop  }
0x2b: {  	s15 =	sshra.s32 s14, $0x2;
	s13 =	sadd.s32 $0x2000, s13  }
0x2c: {  	[tilespmem:s13], [sflag:$0x1] =	stream.indirect_vreg.gather [hbm:s3], $0x200, v0, vm0, $0x38;
	[tilespmem:$0x10080] =	vst v63  }
0x2d: {  	s14 =	sadd.s32 $0x40, s14;
	v0 =	vld.msk [tilespmem:s15+$0x40 ss:$0x1], $0xffff  }
0x2e: {  	_ =	sdelay $0x3  }
0x2f: {  	vm1 =	vgt.s32 v0, $0x0  }
0x30: {  	v0 =	vnsel vm1, $0x0, v0  }
0x31: {  	v0 =	vmin.u32 v0, $0x1FFF  }
0x32: {  	v0 =	vshll.u32 v0, $0x6;
	_ =	sdelay $0x3  }
0x33: {  	s13 =	sadd.s32 $0x2000, s13  }
0x34: {  	[tilespmem:s13], [sflag:$0x1] =	stream.indirect_vreg.gather [hbm:s3], $0x200, v0, vm0, $0x38;
	[tilespmem:$0x10080] =	vst v63  }
0x35: {  	s12 =	sshll.u32 s12, $0x6;
	s14 =	simm.s32 $0x40;
	_ =	swait.ge [sflag:s4], $0x8000  }
0x36: {  	s15 =	simm.s32 $0x8280;
	s12 =	sadd.s32 s12, s7;
	[sflag:s4] =	ssyncset.done $0x0  }
0x37: {  	s16 =	sadd.s32 $0x0, s12;
	s13 =	simm.s32 $0x8080;
	[sflag:s4] =	ssyncadd.s32 $0xFFFF8000  }
.LBB2_7:
0x38: {  	[hbm:s16] =	stream.linear.scatter [tilespmem:s13], [sflag:$0x3], $0x200, $0x38;
	[tilespmem:$0x10080] =	vst v63  }
0x39: {  	s16 =	smov.u32 s14;
	s13 =	smov.u32 s15;
	p0 =	sne.s32 s14, $0xFC0  }
.Ltmp5:
0x3a: {  	s14 =	sadd.s32 $0x40, s14;
	(pc) =	sbr.rel @p0 .LBB2_7-.Ltmp5, $2  }
0x3b: {  	_ =	sdelay $0x2  }
0x3c: {  	s15 =	sadd.s32 $0x200, s15;
	s16 =	sadd.s32 s16, s12  }
.Ltmp6:
0x3d: {  	(pc) =	sbr.rel .LBB2_9-.Ltmp6, $2  }
0x3e: {  	_ =	sdelay $0x2  }
0x3f: {  	[hbm:s16] =	stream.linear.scatter [tilespmem:s13], [sflag:$0x3], $0x200, $0x38;
	[tilespmem:$0x10080] =	vst v63  }
.LBB2_2:
.Ltmp7:
0x40: {  	(pc) =	sbr.rel .LBB2_10-.Ltmp7, $4  }
0x41: {  	_ = 	snop  }
0x42: {  	s12 =	sshrl.u32 s11, $0x3  }
0x43: {  	s13 =	sand.u32 $0x7, s11;
	s12 =	sadd.s32 s2, s12  }
0x44: {  	[tilespmem:s9], [sflag:$0x2] =	stream.linear.gather [hbm4b:s12+s13], $0x40, $0x38;
	[tilespmem:$0x10080] =	vst v63  }
.LBB2_11:
0x45: {  	s2 =	simm.s32 $0x3  }
0x46: {  	_ =	swait.ge [sflag:s2], $0x8000  }
0x47: {  	[sflag:s2] =	ssyncset.done $0x0  }
0x48: {  	[sflag:s2] =	ssyncadd.s32 $0xFFFF8000  }
0x49: {  	_ =	sfence.sel $0x180000  }
0x4a: {  	s3 =	simm.s32 $0x2;
	[bflag:$0x0] =	sbarrier.arrive $0xFFFF  }
0x4b: {  	[sflag:s3] =	ssyncpa.u1 $0x1  }
0x4c: {  	s31 =	simm.s32 $0x1;
	[sflag:s2] =	ssyncpa.u1 $0x1  }
0x4d: {  	[sflag:s31] =	ssyncpa.u1 $0x1  }
0x4e: {  	p0 =	sne.s32 s1, $0x0;
	_ =	strace $0x90000047  }
0x4f: {  	s0 =	sadd.s32 @!p0 $0x100000, s0;
	[bflag:$0x2] =	sbarrier.arrive $0xFFFF  }
0x50: {  	[sflag:s0] =	ssyncadd.tile.s32 @!p0 $0x1;
	_ =	shalt  }
.Lfunc_end2:
_tile_overlayer_lowered:
.L_overlay_start_2:
0x51: {  	(tag) =	ssettag $0x2  }
0x52: {  	s0 =	rddreg [dreg:$0x0];
	s2 =	stileid.u32  }
0x53: {  	s1 =	rddreg [dreg:$0x1];
	p0 =	sne.s32 s2, $0x0  }
0x54: {  	s3 =	rddreg [dreg:$0x2];
	[bflag:$0x3] =	sbarrier.arrive $0xFFFF;
	s2 =	simm.s32 @!p0 $0x1C01  }
0x55: {  	[timem:s3], [sflag:s2] =	dma.local @!p0 [hbm:s0], s1  }
0x56: {  	s0 =	simm.s32 @!p0 $0x1  }
0x57: {  	_ =	swait.ge @!p0 [sflag:s0], s1  }
0x58: {  	s1 =	ssub.s32 @!p0 $0x0, s1;
	[sflag:s0] =	ssyncset.done @!p0 $0x0  }
0x59: {  	[sflag:s0] =	ssyncadd.s32 @!p0 s1  }
0x5a: {  	[bflag:$0x3] =	sbarrier.arrive $0xFFFF  }
0x5b: {  	_ =	shalt  }

// kernel: kernel.8.cloned.1.call-start
scs
__scs_entry_jumppad:
0x0: {  	(pc) =	sbr.rel $0x88, $3  }
0x1: {  	(tag) =	ssettag $0x0;
	lr =	simm.s32 $0x1  }
0x2: {  	[smem:$0x3F93] =	sst lr;
	_ =	strace $0xD0000000  }
0x3: {  	_ = 	snop  }
0x4: {  	_ = 	snop  }
0x5: {  	_ = 	snop  }
0x6: {  	_ = 	snop  }
0x7: {  	_ = 	snop  }
__scs_overlays_trampoline_lowered:
0x8: {  	[smem:$0x3FA2] =	sst s0  }
0x9: {  	[smem:$0x3FA3] =	sst s1  }
0xa: {  	[smem:$0x3FA4] =	sst s2  }
0xb: {  	[smem:$0x3FA5] =	sst s3  }
0xc: {  	[smem:$0x3FA6] =	sst s4  }
0xd: {  	[smem:$0x3FA7] =	sst s5  }
0xe: {  	[smem:$0x3FA8] =	sst s6  }
0xf: {  	[smem:$0x3FA9] =	sst s7  }
0x10: {  	[smem:$0x3FAA] =	sst s8  }
0x11: {  	[smem:$0x3FAB] =	sst s9;
	s0 =	simm.s32 @!p0 $0x0  }
0x12: {  	s1 =	sld [smem:$0x3F91];
	s0 =	simm.s32 @p0 $0x1  }
0x13: {  	[smem:$0x3FAC] =	sst s0;
	s0 =	simm.s32 @!p1 $0x0  }
0x14: {  	s2 =	sld [smem:$0x3F90];
	s0 =	simm.s32 @p1 $0x1  }
0x15: {  	[smem:$0x3FAD] =	sst s0;
	s0 =	simm.s32 @!p2 $0x0  }
0x16: {  	s3 =	sld [smem:$0x3FDB];
	s0 =	simm.s32 @p2 $0x1  }
0x17: {  	s4 =	simm.s32 $0x1BF5;
	[smem:$0x3FAF] =	sst s0  }
0x18: {  	s0 =	sld [smem:$0x3F92];
	_ =	swait.ge [sflag:s4], $0x0  }
0x19: {  	s7 =	sld [smem:$0x3F93]  }
0x1a: {  	s8 =	sadd.s32 $0xFFFFE003, lr  }
0x1b: {  	s9 =	sadd.s32 $0xFFFFFEF7, lr;
	s5 =	simm.s32 $0xFFFFFFFF;
	p2 =	slt.u32 s8, $0xFFFFF086  }
0x1c: {  	p1 =	slt.u32 s9, $0xF7A;
	s5 =	simm.s32 @!p2 $0x0  }
0x1d: {  	s5 =	simm.s32 @p1 $0x1;
	p0 =	seq.s32 s7, s2  }
0x1e: {  	s7 =	smul.u32 @!p0 $0xF7A, s2;
	p2 =	seq.s32 @!p0 s5, $0x0  }
0x1f: {  	s9 =	smul.u32 $0xF7A, s1;
	s8 =	simm.s32 @!p0 $0x1BF5;
	p2 =	por !p2, p0  }
0x20: {  	[sflag:s8] =	ssyncset.s32 @!p0 $0xFFFFF086;
	s6 =	sadd.s32 @!p0 s3, s7;
	s7 =	simm.s32 @!p0 $0x108  }
0x21: {  	s3 =	sadd.s32 s3, s9;
	s6 =	sadd.s32 @!p0 $0x88, s6;
	s7 =	simm.s32 @p2 $0x1082  }
0x22: {  	[simem:s7], [sflag:s8] =	dma.local @!p0 [hbm:s6], $0xF7A  }
0x23: {  	s9 =	sor.u32 $0xD0000000, s2;
	s6 =	simm.s32 $0x108;
	_ =	swait.ge @!p0 [sflag:s8], $0x0  }
0x24: {  	s3 =	sadd.s32 $0x88, s3;
	s6 =	simm.s32 @!p1 $0x1082;
	[sflag:s4] =	ssyncset.s32 $0xFFFFF086  }
0x25: {  	[simem:s6], [sflag:s4] =	dma.local [hbm:s3], $0xF7A  }
0x26: {  	[smem:$0x3F93] =	sst s1;
	(tag) =	ssettag s2;
	_ =	strace s9  }
0x27: {  	s1 =	sld [smem:$0x3FA3]  }
0x28: {  	s2 =	sld [smem:$0x3FA4]  }
0x29: {  	s4 =	sld [smem:$0x3FA6]  }
0x2a: {  	p0 =	seq.s32 s5, $0x0;
	s5 =	sld [smem:$0x3FA7]  }
0x2b: {  	s6 =	sld [smem:$0x3FA8]  }
0x2c: {  	s7 =	sld [smem:$0x3FA9]  }
0x2d: {  	s3 =	simm.s32 $0x108;
	s8 =	sld [smem:$0x3FAA]  }
0x2e: {  	s3 =	simm.s32 @!p0 $0x1082;
	s9 =	sld [smem:$0x3FAB]  }
0x2f: {  	lr =	sadd.s32 s0, s3;
	s0 =	sld [smem:$0x3FA2]  }
0x30: {  	s3 =	sld [smem:$0x3FA5]  }
0x31: {  	[smem:$0x3FAE] =	sst s10  }
0x32: {  	s10 =	sld [smem:$0x3FAC];
	_ =	sdelay $0x3  }
0x33: {  	p0 =	seq.s32 s10, $0x1;
	s10 =	sld [smem:$0x3FAE];
	_ =	sdelay $0x3  }
0x34: {  	[smem:$0x3FAE] =	sst s10  }
0x35: {  	s10 =	sld [smem:$0x3FAD];
	_ =	sdelay $0x3  }
0x36: {  	p1 =	seq.s32 s10, $0x1;
	s10 =	sld [smem:$0x3FAE];
	_ =	sdelay $0x3  }
0x37: {  	[smem:$0x3FAE] =	sst s10  }
0x38: {  	s10 =	sld [smem:$0x3FAF]  }
0x39: {  	_ = 	snop;
	(pc) =	sbr.ind lr, $3  }
0x3a: {  	_ = 	snop  }
0x3b: {  	_ = 	snop  }
0x3c: {  	p2 =	seq.s32 s10, $0x1;
	s10 =	sld [smem:$0x3FAE]  }
0x3d: {  	_ =	shalt  }
0x3e: {  	_ =	shalt  }
0x3f: {  	_ =	shalt  }
0x40: {  	_ =	shalt  }
0x41: {  	_ =	shalt  }
0x42: {  	_ =	shalt  }
0x43: {  	_ =	shalt  }
0x44: {  	_ =	shalt  }
0x45: {  	_ =	shalt  }
0x46: {  	_ =	shalt  }
0x47: {  	_ =	shalt  }
0x48: {  	_ =	shalt  }
0x49: {  	_ =	shalt  }
0x4a: {  	_ =	shalt  }
0x4b: {  	_ =	shalt  }
0x4c: {  	_ =	shalt  }
0x4d: {  	_ =	shalt  }
0x4e: {  	_ =	shalt  }
0x4f: {  	_ =	shalt  }
0x50: {  	_ =	shalt  }
0x51: {  	_ =	shalt  }
0x52: {  	_ =	shalt  }
0x53: {  	_ =	shalt  }
0x54: {  	_ =	shalt  }
0x55: {  	_ =	shalt  }
0x56: {  	_ =	shalt  }
0x57: {  	_ =	shalt  }
0x58: {  	_ =	shalt  }
0x59: {  	_ =	shalt  }
0x5a: {  	_ =	shalt  }
0x5b: {  	_ =	shalt  }
0x5c: {  	_ =	shalt  }
0x5d: {  	_ =	shalt  }
0x5e: {  	_ =	shalt  }
0x5f: {  	_ =	shalt  }
0x60: {  	_ =	shalt  }
0x61: {  	_ =	shalt  }
0x62: {  	_ =	shalt  }
0x63: {  	_ =	shalt  }
0x64: {  	_ =	shalt  }
0x65: {  	_ =	shalt  }
0x66: {  	_ =	shalt  }
0x67: {  	_ =	shalt  }
0x68: {  	_ =	shalt  }
0x69: {  	_ =	shalt  }
0x6a: {  	_ =	shalt  }
0x6b: {  	_ =	shalt  }
0x6c: {  	_ =	shalt  }
0x6d: {  	_ =	shalt  }
0x6e: {  	_ =	shalt  }
0x6f: {  	_ =	shalt  }
0x70: {  	_ =	shalt  }
0x71: {  	_ =	shalt  }
0x72: {  	_ =	shalt  }
0x73: {  	_ =	shalt  }
0x74: {  	_ =	shalt  }
0x75: {  	_ =	shalt  }
0x76: {  	_ =	shalt  }
0x77: {  	_ =	shalt  }
0x78: {  	_ =	shalt  }
0x79: {  	_ =	shalt  }
0x7a: {  	_ =	shalt  }
0x7b: {  	_ =	shalt  }
0x7c: {  	_ =	shalt  }
0x7d: {  	_ =	shalt  }
0x7e: {  	_ =	shalt  }
0x7f: {  	_ =	shalt  }
0x80: {  	_ =	shalt  }
0x81: {  	_ =	shalt  }
0x82: {  	_ =	shalt  }
0x83: {  	_ =	shalt  }
0x84: {  	_ =	shalt  }
0x85: {  	_ =	shalt  }
0x86: {  	_ =	shalt  }
0x87: {  	_ =	shalt  }
.Lfunc_end0:
.L_simem_size_0:
called_computation.1_lowered:
.L_overlay_start_0:
0x88: {  	s2 =	sld [smem:$0x3FD9]  }
0x89: {  	s3 =	sld [smem:$0x3FFE];
	_ =	sdelay $0x1  }
0x8a: {  	s1 =	srdreg.scid  }
0x8b: {  	s0 =	sand.u32 $0x1, s1  }
0x8c: {  	s14 =	sshll.u32 s0, $0xA;
	s2 =	sadd.s32 s3, s2  }
0x8d: {  	s2 =	sadd.s32 s2, s14  }
0x8e: {  	[smem:$0x3FBA] =	sst s2  }
0x8f: {  	_ = 	snop  }
0x90: {  	s2 =	sld [smem:$0x3FD0];
	_ =	sdelay $0x2  }
0x91: {  	s15 =	simm.s32 $0xA;
	s4 =	simm.s32 $0x10  }
0x92: {  	[smem:s4], [sflag:s15] =	dma.local [hbm:s2], $0x1  }
0x93: {  	_ =	swait.eq [sflag:s15], $0x1  }
0x94: {  	[sflag:s15] =	ssyncset.done $0x0  }
0x95: {  	[sflag:s15] =	ssyncadd.s32 $0xFFFFFFFF  }
0x96: {  	s16 =	sld [smem:$0x11];
	(tm) =	ssettm $0x1  }
0x97: {  	s17 =	sld [smem:$0x3FFB];
	_ =	sdelay $0x3  }
0x98: {  	_ =	strace s17  }
0x99: {  	s3 =	sld [smem:$0x3FFC];
	_ =	sdelay $0x3  }
0x9a: {  	_ =	strace s3  }
0x9b: {  	s3 =	sld [smem:$0x3FFD];
	_ =	sdelay $0x3  }
0x9c: {  	_ =	strace s3  }
0x9d: {  	_ =	strace $0x8FFFFFFF  }
0x9e: {  	s18 =	sld [smem:$0x3FDB];
	_ =	sdelay $0x1  }
0x9f: {  	s19 =	simm.s32 $_scs_section_size  }
0xa0: {  	s5 =	simm.s32 $_size__tile_overlayer_lowered;
	s6 =	simm.s32 $_tile_overlayer_lowered  }
0xa1: {  	s22 =	simm.s32 $0x1BFF;
	s21 =	sshll.u32 s6, $0x1;
	s3 =	sadd.s32 s19, s18  }
0xa2: {  	s7 =	simm.s32 $0x0;
	s20 =	sshll.u32 s5, $0x1;
	s5 =	sadd.s32 s21, s3  }
0xa3: {  	[timem:s7], [sflag:s22] =	dma.local [hbm:s5], s20  }
0xa4: {  	_ =	swait.ge [sflag:s22], s20  }
0xa5: {  	s4 =	ssub.s32 $0x0, s20;
	[sflag:s22] =	ssyncset.done $0x0  }
0xa6: {  	[sflag:s22] =	ssyncadd.s32 s4;
	_ =	sdelay $0x1  }
0xa7: {  	s23 =	simm.s32 $0x1B8B  }
0xa8: {  	_ =	swait.ge [sflag:s23], $0x1  }
0xa9: {  	[sflag:s23] =	ssyncset.done $0x0  }
0xaa: {  	s25 =	simm.s32 $0x1B8E;
	s24 =	sld [smem:$0x3FFE];
	[sflag:s23] =	ssyncadd.s32 $0xFFFFFFFF  }
0xab: {  	s26 =	simm.s32 $execute0_lowered;
	[smem:$0x3FD2] =	sst s25  }
0xac: {  	s5 =	sshll.u32 s26, $0x1;
	_ =	strace $0x80000049;
	[dreg:$0x1] =	wrdreg $0xFFFFFFFF  }
0xad: {  	s28 =	simm.s32 $_size_execute0_lowered;
	s3 =	sadd.s32 s3, s5;
	[dreg:$0x0] =	wrdreg $0x0  }
0xae: {  	s5 =	sshll.u32 s28, $0x1;
	[dreg:$0x2] =	wrdreg s3  }
0xaf: {  	[dreg:$0x3] =	wrdreg s5  }
0xb0: {  	[dreg:$0x4] =	wrdreg $0xC0  }
0xb1: {  	_ =	task [dreg:s7], $0x5FFFF  }
0xb2: {  	[dreg:$0x1] =	wrdreg $0xFFFFFFFF  }
0xb3: {  	[dreg:$0x0] =	wrdreg $0x60  }
0xb4: {  	[dreg:$0x2] =	wrdreg s16  }
0xb5: {  	[dreg:$0x3] =	wrdreg s24  }
0xb6: {  	[dreg:$0x4] =	wrdreg $0x9  }
0xb7: {  	_ =	task.clear_ibuf [dreg:s7], $0x5FFFF;
	_ =	strace $0x90000049  }
0xb8: {  	s29 =	simm.s32 $0x9;
	_ =	strace $0x8000004B  }
0xb9: {  	_ =	swait.ge [sflag:s29], $0x1  }
0xba: {  	[sflag:s29] =	ssyncadd.s32 $0xFFFFFFFF  }
0xbb: {  	_ =	strace $0x9000004B  }
0xbc: {  	_ =	sfence  }
0xbd: {  	s30 =	sld [smem:$0x0];
	_ =	sdelay $0x2  }
0xbe: {  	s31 =	sshll.u32 s1, $0xD;
	s1 =	sshrl.u32 s1, $0x2  }
0xbf: {  	s3 =	sand.u32 $0x4000, s31;
	s1 =	sadd.s32 s1, s30  }
0xc0: {  	s0 =	sor.u32 s3, s0;
	s1 =	sshll.u32 s1, $0x11  }
0xc1: {  	s0 =	sor.u32 s1, s0  }
0xc2: {  	s0 =	sadd.s32 $0x8F2B, s0  }
0xc3: {  	[sflag:s0] =	ssyncadd.remote.s32 $0x1  }
0xc4: {  	_ =	sfence.sel $0xFFFF  }
0xc5: {  	[dreg:$0x0] =	wrdreg $0xFFFFFFFF;
	(pc) =	sbr.abs _section_cstart, $3  }
0xc6: {  	[dreg:$0x1] =	wrdreg $0xFFFFFFFF  }
0xc7: {  	_ =	task.clear_ibuf [dreg:s7], $0x2FFFF;
	_ =	strace $0x9FFFFFFF  }
0xc8: {  	(tm) =	ssettm $0x7FFFFFFF  }
0xc9: {  	_ =	shalt  }
tec
execute0_lowered:
.L_overlay_start_1:
0x0: {  	(tag) =	ssettag $0x1  }
0x1: {  	s4 =	rddreg [dreg:$0x0]  }
0x2: {  	s5 =	rddreg [dreg:$0x1]  }
0x3: {  	s0 =	rddreg [dreg:$0x2]  }
0x4: {  	s2 =	simm.s32 $0x0;
	s1 =	stileid.u32;
	s7 =	srdreg.scid  }
0x5: {  	s11 =	simm.s32 $0x4000;
	s12 =	simm.s32 $0x5000;
	s13 =	simm.s32 $0x6000  }
0x6: {  	s14 =	simm.s32 $0x7000;
	s15 =	simm.s32 $0x8000;
	s16 =	simm.s32 $0x9000  }
0x7: {  	s17 =	simm.s32 $0x1;
	s18 =	simm.s32 $0x0;
	[smem:$0x7FF] =	sst s2  }
0x8: {  	s6 =	sshll.u32 s1, $0x10;
	s3 =	sadd.s32 $0xA2E00, s5;
	s31 =	sand.u32 $0x1, s7  }
0x9: {  	s8 =	sshll.u32 s1, $0xE;
	_ =	strace $0x8000004A;
	s5 =	sadd.s32 s6, s5  }
0xa: {  	s7 =	ssub.s32 $0x2, s31;
	s9 =	sshll.u32 s31, $0xD;
	s6 =	sshll.u32 s31, $0xF  }
0xb: {  	s10 =	sshrl.u32 s7, $0x1;
	s8 =	sor.u32 s9, s8;
	s6 =	sadd.s32 s6, s5  }
0xc: {  	s9 =	simm.s32 $0x2000;
	s7 =	ssub.s32 s7, s10;
	s8 =	sshrl.u32 s8, $0x3  }
0xd: {  	s6 =	sadd.s32 $0xC2E00, s6;
	s10 =	simm.s32 $0x3000;
	s4 =	sadd.s32 s4, s8  }
0xe: {  	s5 =	smax.u32 s7, $0x1;
	s7 =	simm.s32 $0x2;
	s8 =	simm.s32 $0x80  }
.LBB2_1:
0xf: {  	[tilespmem:s2], [sflag:$0x2] =	stream.linear.gather [hbm4b:s4+s2], $0x2000, $0x38;
	[tilespmem:$0xA000] =	vst v63  }
0x10: {  	_ =	swait.ge [sflag:s7], $0x2000  }
0x11: {  	[sflag:s7] =	ssyncset.done $0x0  }
0x12: {  	s19 =	simm.s32 $0x0;
	[sflag:s7] =	ssyncadd.s32 $0xFFFFE000  }
0x13: {  	[tilespmem:s9], [sflag:$0x1] =	stream.indirect.gather [hbm4b:s3+s8], $0x20, s19, s8, $0xb8;
	[tilespmem:$0xA000] =	vst v63  }
0x14: {  	s23 =	simm.s32 $0x80  }
0x15: {  	[tilespmem:s10], [sflag:$0x1] =	stream.indirect.gather [hbm4b:s3+s8], $0x20, s23, s8, $0xb8;
	[tilespmem:$0xA000] =	vst v63  }
0x16: {  	s24 =	simm.s32 $0x100  }
0x17: {  	[tilespmem:s11], [sflag:$0x1] =	stream.indirect.gather [hbm4b:s3+s8], $0x20, s24, s8, $0xb8;
	[tilespmem:$0xA000] =	vst v63  }
0x18: {  	s25 =	simm.s32 $0x180  }
0x19: {  	[tilespmem:s12], [sflag:$0x1] =	stream.indirect.gather [hbm4b:s3+s8], $0x20, s25, s8, $0xb8;
	[tilespmem:$0xA000] =	vst v63  }
0x1a: {  	s26 =	simm.s32 $0x200  }
0x1b: {  	[tilespmem:s13], [sflag:$0x1] =	stream.indirect.gather [hbm4b:s3+s8], $0x20, s26, s8, $0xb8;
	[tilespmem:$0xA000] =	vst v63  }
0x1c: {  	s28 =	simm.s32 $0x280  }
0x1d: {  	[tilespmem:s14], [sflag:$0x1] =	stream.indirect.gather [hbm4b:s3+s8], $0x20, s28, s8, $0xb8;
	[tilespmem:$0xA000] =	vst v63  }
0x1e: {  	s29 =	simm.s32 $0x300  }
0x1f: {  	[tilespmem:s15], [sflag:$0x1] =	stream.indirect.gather [hbm4b:s3+s8], $0x20, s29, s8, $0xb8;
	[tilespmem:$0xA000] =	vst v63  }
0x20: {  	s30 =	simm.s32 $0x380  }
0x21: {  	[tilespmem:s16], [sflag:$0x1] =	stream.indirect.gather [hbm4b:s3+s8], $0x20, s30, s8, $0xb8;
	[tilespmem:$0xA000] =	vst v63  }
0x22: {  	_ =	swait.ge [sflag:s17], $0x1000  }
0x23: {  	[sflag:s17] =	ssyncset.done $0x0  }
0x24: {  	[sflag:s17] =	ssyncadd.s32 $0xFFFFF000  }
0x25: {  	_ =	swait.ge [sflag:s17], $0x1000  }
0x26: {  	[sflag:s17] =	ssyncset.done $0x0  }
0x27: {  	[sflag:s17] =	ssyncadd.s32 $0xFFFFF000  }
0x28: {  	_ =	swait.ge [sflag:s17], $0x1000  }
0x29: {  	[sflag:s17] =	ssyncset.done $0x0  }
0x2a: {  	[sflag:s17] =	ssyncadd.s32 $0xFFFFF000  }
0x2b: {  	_ =	swait.ge [sflag:s17], $0x1000  }
0x2c: {  	[sflag:s17] =	ssyncset.done $0x0  }
0x2d: {  	[sflag:s17] =	ssyncadd.s32 $0xFFFFF000  }
0x2e: {  	_ =	swait.ge [sflag:s17], $0x1000  }
0x2f: {  	[sflag:s17] =	ssyncset.done $0x0  }
0x30: {  	[sflag:s17] =	ssyncadd.s32 $0xFFFFF000  }
0x31: {  	_ =	swait.ge [sflag:s17], $0x1000  }
0x32: {  	[sflag:s17] =	ssyncset.done $0x0  }
0x33: {  	[sflag:s17] =	ssyncadd.s32 $0xFFFFF000  }
0x34: {  	_ =	swait.ge [sflag:s17], $0x1000  }
0x35: {  	[sflag:s17] =	ssyncset.done $0x0  }
0x36: {  	[sflag:s17] =	ssyncadd.s32 $0xFFFFF000  }
0x37: {  	_ =	swait.ge [sflag:s17], $0x1000  }
0x38: {  	[sflag:s17] =	ssyncset.done $0x0  }
0x39: {  	s31 =	sadd.s32 $0x0, s6;
	[sflag:s17] =	ssyncadd.s32 $0xFFFFF000  }
0x3a: {  	[hbm4b:s31+s2] =	stream.linear.scatter [tilespmem:s9], [sflag:$0x2], $0x8000, $0x38;
	[tilespmem:$0xA000] =	vst v63  }
0x3b: {  	_ =	swait.ge [sflag:s7], $0x8000  }
0x3c: {  	s22 =	simm.s32 $0x2000;
	s19 =	simm.s32 $0x1000;
	[sflag:s7] =	ssyncset.done $0x0  }
.LBB2_2:
0x3d: {  	s23 =	sshra.s32 s19, $0x2  }
0x3e: {  	[sflag:s7] =	ssyncadd.s32 $0xFFFF8000;
	s21 =	smov.u32 s22;
	s20 =	sadd.s32 $0x1000, s22  }
0x3f: {  	[tilespmem:s9], [sflag:$0x1] =	stream.indirect.gather [hbm4b:s3+s8], $0x20, s23, s8, $0xb8;
	[tilespmem:$0xA000] =	vst v63  }
0x40: {  	p0 =	sne.s32 s22, $0x7000;
	s22 =	sadd.s32 $0x80, s23  }
0x41: {  	[tilespmem:s10], [sflag:$0x1] =	stream.indirect.gather [hbm4b:s3+s8], $0x20, s22, s8, $0xb8;
	[tilespmem:$0xA000] =	vst v63  }
0x42: {  	s22 =	sadd.s32 $0x100, s23  }
0x43: {  	[tilespmem:s11], [sflag:$0x1] =	stream.indirect.gather [hbm4b:s3+s8], $0x20, s22, s8, $0xb8;
	[tilespmem:$0xA000] =	vst v63  }
0x44: {  	s22 =	sadd.s32 $0x180, s23  }
0x45: {  	[tilespmem:s12], [sflag:$0x1] =	stream.indirect.gather [hbm4b:s3+s8], $0x20, s22, s8, $0xb8;
	[tilespmem:$0xA000] =	vst v63  }
0x46: {  	s22 =	sadd.s32 $0x200, s23  }
0x47: {  	[tilespmem:s13], [sflag:$0x1] =	stream.indirect.gather [hbm4b:s3+s8], $0x20, s22, s8, $0xb8;
	[tilespmem:$0xA000] =	vst v63  }
0x48: {  	s22 =	sadd.s32 $0x280, s23  }
0x49: {  	[tilespmem:s14], [sflag:$0x1] =	stream.indirect.gather [hbm4b:s3+s8], $0x20, s22, s8, $0xb8;
	[tilespmem:$0xA000] =	vst v63  }
0x4a: {  	s22 =	sadd.s32 $0x300, s23  }
0x4b: {  	[tilespmem:s15], [sflag:$0x1] =	stream.indirect.gather [hbm4b:s3+s8], $0x20, s22, s8, $0xb8;
	[tilespmem:$0xA000] =	vst v63  }
0x4c: {  	s22 =	sadd.s32 $0x380, s23  }
0x4d: {  	[tilespmem:s16], [sflag:$0x1] =	stream.indirect.gather [hbm4b:s3+s8], $0x20, s22, s8, $0xb8;
	[tilespmem:$0xA000] =	vst v63  }
0x4e: {  	_ =	swait.ge [sflag:s17], $0x1000  }
0x4f: {  	[sflag:s17] =	ssyncset.done $0x0  }
0x50: {  	[sflag:s17] =	ssyncadd.s32 $0xFFFFF000  }
0x51: {  	_ =	swait.ge [sflag:s17], $0x1000  }
0x52: {  	[sflag:s17] =	ssyncset.done $0x0  }
0x53: {  	[sflag:s17] =	ssyncadd.s32 $0xFFFFF000  }
0x54: {  	_ =	swait.ge [sflag:s17], $0x1000  }
0x55: {  	[sflag:s17] =	ssyncset.done $0x0  }
0x56: {  	[sflag:s17] =	ssyncadd.s32 $0xFFFFF000  }
0x57: {  	_ =	swait.ge [sflag:s17], $0x1000  }
0x58: {  	[sflag:s17] =	ssyncset.done $0x0  }
0x59: {  	[sflag:s17] =	ssyncadd.s32 $0xFFFFF000  }
0x5a: {  	_ =	swait.ge [sflag:s17], $0x1000  }
0x5b: {  	[sflag:s17] =	ssyncset.done $0x0  }
0x5c: {  	[sflag:s17] =	ssyncadd.s32 $0xFFFFF000  }
0x5d: {  	_ =	swait.ge [sflag:s17], $0x1000  }
0x5e: {  	[sflag:s17] =	ssyncset.done $0x0  }
0x5f: {  	[sflag:s17] =	ssyncadd.s32 $0xFFFFF000  }
0x60: {  	_ =	swait.ge [sflag:s17], $0x1000  }
0x61: {  	[sflag:s17] =	ssyncset.done $0x0  }
0x62: {  	[sflag:s17] =	ssyncadd.s32 $0xFFFFF000  }
0x63: {  	_ =	swait.ge [sflag:s17], $0x1000  }
.Ltmp0:
0x64: {  	[sflag:s17] =	ssyncset.done $0x0;
	(pc) =	sbr.rel @p0 .LBB2_2-.Ltmp0, $4  }
0x65: {  	s22 =	sadd.s32 s19, s6;
	s19 =	smov.u32 s21;
	[sflag:s17] =	ssyncadd.s32 $0xFFFFF000  }
0x66: {  	[hbm4b:s22+s2] =	stream.linear.scatter [tilespmem:s9], [sflag:$0x2], $0x8000, $0x38;
	[tilespmem:$0xA000] =	vst v63  }
0x67: {  	_ =	swait.ge [sflag:s7], $0x8000  }
0x68: {  	s22 =	smov.u32 s20;
	[sflag:s7] =	ssyncset.done $0x0  }
0x69: {  	s20 =	sshra.s32 s19, $0x2;
	[sflag:s7] =	ssyncadd.s32 $0xFFFF8000  }
0x6a: {  	[tilespmem:s9], [sflag:$0x1] =	stream.indirect.gather [hbm4b:s3+s8], $0x20, s20, s8, $0xb8;
	[tilespmem:$0xA000] =	vst v63  }
0x6b: {  	s21 =	sadd.s32 $0x80, s20  }
0x6c: {  	[tilespmem:s10], [sflag:$0x1] =	stream.indirect.gather [hbm4b:s3+s8], $0x20, s21, s8, $0xb8;
	[tilespmem:$0xA000] =	vst v63  }
0x6d: {  	s25 =	sadd.s32 $0x100, s20  }
0x6e: {  	[tilespmem:s11], [sflag:$0x1] =	stream.indirect.gather [hbm4b:s3+s8], $0x20, s25, s8, $0xb8;
	[tilespmem:$0xA000] =	vst v63  }
0x6f: {  	s26 =	sadd.s32 $0x180, s20  }
0x70: {  	[tilespmem:s12], [sflag:$0x1] =	stream.indirect.gather [hbm4b:s3+s8], $0x20, s26, s8, $0xb8;
	[tilespmem:$0xA000] =	vst v63  }
0x71: {  	s28 =	sadd.s32 $0x200, s20  }
0x72: {  	[tilespmem:s13], [sflag:$0x1] =	stream.indirect.gather [hbm4b:s3+s8], $0x20, s28, s8, $0xb8;
	[tilespmem:$0xA000] =	vst v63  }
0x73: {  	s29 =	sadd.s32 $0x280, s20  }
0x74: {  	[tilespmem:s14], [sflag:$0x1] =	stream.indirect.gather [hbm4b:s3+s8], $0x20, s29, s8, $0xb8;
	[tilespmem:$0xA000] =	vst v63  }
0x75: {  	s30 =	sadd.s32 $0x300, s20  }
0x76: {  	[tilespmem:s15], [sflag:$0x1] =	stream.indirect.gather [hbm4b:s3+s8], $0x20, s30, s8, $0xb8;
	[tilespmem:$0xA000] =	vst v63  }
0x77: {  	s20 =	sadd.s32 $0x380, s20  }
0x78: {  	[tilespmem:s16], [sflag:$0x1] =	stream.indirect.gather [hbm4b:s3+s8], $0x20, s20, s8, $0xb8;
	[tilespmem:$0xA000] =	vst v63  }
0x79: {  	_ =	swait.ge [sflag:s17], $0x1000  }
0x7a: {  	[sflag:s17] =	ssyncset.done $0x0  }
0x7b: {  	[sflag:s17] =	ssyncadd.s32 $0xFFFFF000  }
0x7c: {  	_ =	swait.ge [sflag:s17], $0x1000  }
0x7d: {  	[sflag:s17] =	ssyncset.done $0x0  }
0x7e: {  	[sflag:s17] =	ssyncadd.s32 $0xFFFFF000  }
0x7f: {  	_ =	swait.ge [sflag:s17], $0x1000  }
0x80: {  	[sflag:s17] =	ssyncset.done $0x0  }
0x81: {  	[sflag:s17] =	ssyncadd.s32 $0xFFFFF000  }
0x82: {  	_ =	swait.ge [sflag:s17], $0x1000  }
0x83: {  	[sflag:s17] =	ssyncset.done $0x0  }
0x84: {  	[sflag:s17] =	ssyncadd.s32 $0xFFFFF000  }
0x85: {  	_ =	swait.ge [sflag:s17], $0x1000  }
0x86: {  	[sflag:s17] =	ssyncset.done $0x0  }
0x87: {  	[sflag:s17] =	ssyncadd.s32 $0xFFFFF000  }
0x88: {  	_ =	swait.ge [sflag:s17], $0x1000  }
0x89: {  	[sflag:s17] =	ssyncset.done $0x0  }
0x8a: {  	[sflag:s17] =	ssyncadd.s32 $0xFFFFF000  }
0x8b: {  	_ =	swait.ge [sflag:s17], $0x1000  }
0x8c: {  	[sflag:s17] =	ssyncset.done $0x0  }
0x8d: {  	[sflag:s17] =	ssyncadd.s32 $0xFFFFF000  }
0x8e: {  	s18 =	sadd.s32 $0x1, s18;
	_ =	swait.ge [sflag:s17], $0x1000  }
0x8f: {  	p0 =	sne.s32 s18, s5;
	[sflag:s17] =	ssyncset.done $0x0  }
.Ltmp1:
0x90: {  	s31 =	sadd.s32 s19, s6;
	[sflag:s17] =	ssyncadd.s32 $0xFFFFF000;
	(pc) =	sbr.rel @p0 .LBB2_1-.Ltmp1, $4  }
0x91: {  	[hbm4b:s31+s2] =	stream.linear.scatter [tilespmem:s9], [sflag:$0x2], $0x8000, $0x38;
	[tilespmem:$0xA000] =	vst v63  }
0x92: {  	_ =	swait.ge [sflag:s7], $0x8000  }
0x93: {  	[sflag:s7] =	ssyncset.done $0x0  }
0x94: {  	[sflag:s7] =	ssyncadd.s32 $0xFFFF8000  }
0x95: {  	_ =	sfence.sel $0x180000  }
0x96: {  	[bflag:$0x0] =	sbarrier.arrive $0xFFFF  }
0x97: {  	p0 =	sne.s32 s1, $0x0;
	_ =	strace $0x9000004A  }
0x98: {  	s0 =	sadd.s32 @!p0 $0x100000, s0;
	[bflag:$0x2] =	sbarrier.arrive $0xFFFF  }
0x99: {  	[sflag:s0] =	ssyncadd.tile.s32 @!p0 $0x1;
	_ =	shalt  }
.Lfunc_end2:
_tile_overlayer_lowered:
.L_overlay_start_2:
0x9a: {  	(tag) =	ssettag $0x2  }
0x9b: {  	s0 =	rddreg [dreg:$0x0];
	s2 =	stileid.u32  }
0x9c: {  	s1 =	rddreg [dreg:$0x1];
	p0 =	sne.s32 s2, $0x0  }
0x9d: {  	s3 =	rddreg [dreg:$0x2];
	[bflag:$0x3] =	sbarrier.arrive $0xFFFF;
	s2 =	simm.s32 @!p0 $0x1C02  }
0x9e: {  	[timem:s3], [sflag:s2] =	dma.local @!p0 [hbm:s0], s1  }
0x9f: {  	s0 =	simm.s32 @!p0 $0x2  }
0xa0: {  	_ =	swait.ge @!p0 [sflag:s0], s1  }
0xa1: {  	s1 =	ssub.s32 @!p0 $0x0, s1;
	[sflag:s0] =	ssyncset.done @!p0 $0x0  }
0xa2: {  	[sflag:s0] =	ssyncadd.s32 @!p0 s1  }
0xa3: {  	[bflag:$0x3] =	sbarrier.arrive $0xFFFF  }
0xa4: {  	_ =	shalt  }

</sc_bundles>
